<compile_context>
chip_gen: v7x
topology: tpu7x:2x2x1
jax: 0.10.2.dev20260603
libtpu: 0.0.44.dev20260713+nightly
codegen_flags: <defaults>
</compile_context>

<pallas_src>
import functools

import jax
import jax.numpy as jnp
from jax import lax
from jax.experimental import pallas as pl
from jax.experimental.pallas import tpu as pltpu
from jax.experimental.pallas import tpu_sc as plsc

_NUM_CORES = 2
_NUM_SUBCORES = 16
_NUM_WORKERS = _NUM_CORES * _NUM_SUBCORES
_LANES = 16
_NBUF = 8


@functools.partial(jax.jit, static_argnames=("chunk",))
def _sc_gather(indices, data, chunk=6400):
    n = indices.shape[0]
    per_worker = n // _NUM_WORKERS
    num_chunks = per_worker // chunk
    mesh = plsc.VectorSubcoreMesh(
        core_axis_name="c",
        subcore_axis_name="s",
        num_cores=_NUM_CORES,
        num_subcores=_NUM_SUBCORES,
    )

    @functools.partial(
        pl.kernel,
        out_type=jax.ShapeDtypeStruct((n,), jnp.float32),
        mesh=mesh,
        scratch_types=[
            pltpu.VMEM((_LANES,), jnp.float32),
            [pltpu.VMEM((chunk,), jnp.int32) for _ in range(_NBUF)],
            [pltpu.VMEM((chunk,), jnp.float32) for _ in range(_NBUF)],
            [pltpu.SemaphoreType.DMA for _ in range(_NBUF)],
            [pltpu.SemaphoreType.DMA for _ in range(_NBUF)],
        ],
        compiler_params=pltpu.CompilerParams(
            needs_layout_passes=False, skip_device_barrier=True
        ),
    )
    def gather_kernel(
        idx_hbm, data_hbm, out_hbm, table_v, idx_bufs, out_bufs, sin, sout
    ):
        wid = lax.axis_index("s") * _NUM_CORES + lax.axis_index("c")
        base = wid * per_worker

        def in_copy(c, b):
            off = base + c * chunk
            return pltpu.make_async_copy(
                idx_hbm.at[pl.ds(off, chunk)], idx_bufs[b], sin[b]
            )

        def out_copy(c, b):
            off = base + c * chunk
            return pltpu.make_async_copy(
                out_bufs[b], out_hbm.at[pl.ds(off, chunk)], sout[b]
            )


        num_groups = num_chunks // _NBUF

        for b in range(_NBUF):
            in_copy(b, b).start()
        pltpu.sync_copy(data_hbm, table_v.at[pl.ds(0, 8)])

        def group_body(g, carry):
            for b in range(_NBUF):
                c = g * _NBUF + b
                in_copy(c, b).wait()

                @pl.when(g > 0)
                def _():
                    out_copy(c - _NBUF, b).wait()

                @plsc.parallel_loop(0, chunk // _LANES, unroll=16)
                def _(i, idx_v=idx_bufs[b], out_v=out_bufs[b]):
                    iv = idx_v[pl.ds(i * _LANES, _LANES)]
                    out_v[pl.ds(i * _LANES, _LANES)] = plsc.load_gather(
                        table_v, [iv]
                    )

                out_copy(c, b).start()

                @pl.when(g < num_groups - 1)
                def _():
                    in_copy(c + _NBUF, b).start()

            return carry

        lax.fori_loop(0, num_groups, group_body, 0)

        for b in range(_NBUF):
            out_copy((num_groups - 1) * _NBUF + b, b).wait()

    return gather_kernel(indices, data)


def kernel(indices, data):
    idx = indices.astype(jnp.int32)
    return _sc_gather(idx, data.astype(jnp.float32))

# --- scband reference (transcript-rebuilt; emitter-appended) ---
"""Pipeline reference for scband-simple-gather-44667659879098 (READ-ONLY COPY).

The authoritative reference and input builder live on the scoring server;
editing this copy changes nothing except your own understanding.
"""

import jax, jax.numpy as jnp
import numpy as np


def setup_inputs(seed: int = 0) -> dict:
    key = jax.random.key(seed)
    k1, = jax.random.split(key, 1)
    indices = jax.random.randint(k1, (3276800,), 0, 8, dtype=jnp.int32).astype(jnp.int64)
    # The module's registered buffer (fixed 8-element table)
    data = jnp.array([10.0, 20.0, 30.0, 40.0, 50.0, 60.0, 70.0, 80.0], dtype=jnp.float32)
    return {"indices": indices, "data": data}


def reference(indices, data):
    # torch.index_select(self.data, dim=0, index=indices)
    gathered = jnp.take(data, indices, axis=0)
    return gathered

if __name__ == "__main__":
    import jax
    _d = setup_inputs()
    print(jax.jit(kernel)(*tuple(_d.values())))

</pallas_src>

<mosaic_0001>
#map = affine_map<(d0, d1) -> (0)>
module attributes {stable_mosaic.version = 14 : i64} {
  func.func @gather_kernel(%arg0: i32, %arg1: i32, %arg2: memref<3276800xi32, #tpu.memory_space<hbm>>, %arg3: memref<8xf32, #tpu.memory_space<hbm>>, %arg4: memref<3276800xf32, #tpu.memory_space<hbm>>, %arg5: memref<16xf32, #tpu.memory_space<vmem>>, %arg6: memref<6400xi32, #tpu.memory_space<vmem>>, %arg7: memref<6400xi32, #tpu.memory_space<vmem>>, %arg8: memref<6400xi32, #tpu.memory_space<vmem>>, %arg9: memref<6400xi32, #tpu.memory_space<vmem>>, %arg10: memref<6400xi32, #tpu.memory_space<vmem>>, %arg11: memref<6400xi32, #tpu.memory_space<vmem>>, %arg12: memref<6400xi32, #tpu.memory_space<vmem>>, %arg13: memref<6400xi32, #tpu.memory_space<vmem>>, %arg14: memref<6400xf32, #tpu.memory_space<vmem>>, %arg15: memref<6400xf32, #tpu.memory_space<vmem>>, %arg16: memref<6400xf32, #tpu.memory_space<vmem>>, %arg17: memref<6400xf32, #tpu.memory_space<vmem>>, %arg18: memref<6400xf32, #tpu.memory_space<vmem>>, %arg19: memref<6400xf32, #tpu.memory_space<vmem>>, %arg20: memref<6400xf32, #tpu.memory_space<vmem>>, %arg21: memref<6400xf32, #tpu.memory_space<vmem>>, %arg22: memref<!tpu.dma_semaphore, #tpu.memory_space<semaphore_mem>>, %arg23: memref<!tpu.dma_semaphore, #tpu.memory_space<semaphore_mem>>, %arg24: memref<!tpu.dma_semaphore, #tpu.memory_space<semaphore_mem>>, %arg25: memref<!tpu.dma_semaphore, #tpu.memory_space<semaphore_mem>>, %arg26: memref<!tpu.dma_semaphore, #tpu.memory_space<semaphore_mem>>, %arg27: memref<!tpu.dma_semaphore, #tpu.memory_space<semaphore_mem>>, %arg28: memref<!tpu.dma_semaphore, #tpu.memory_space<semaphore_mem>>, %arg29: memref<!tpu.dma_semaphore, #tpu.memory_space<semaphore_mem>>, %arg30: memref<!tpu.dma_semaphore, #tpu.memory_space<semaphore_mem>>, %arg31: memref<!tpu.dma_semaphore, #tpu.memory_space<semaphore_mem>>, %arg32: memref<!tpu.dma_semaphore, #tpu.memory_space<semaphore_mem>>, %arg33: memref<!tpu.dma_semaphore, #tpu.memory_space<semaphore_mem>>, %arg34: memref<!tpu.dma_semaphore, #tpu.memory_space<semaphore_mem>>, %arg35: memref<!tpu.dma_semaphore, #tpu.memory_space<semaphore_mem>>, %arg36: memref<!tpu.dma_semaphore, #tpu.memory_space<semaphore_mem>>, %arg37: memref<!tpu.dma_semaphore, #tpu.memory_space<semaphore_mem>>) attributes {dimension_semantics = [#tpu.dimension_semantics<core_parallel>, #tpu.dimension_semantics<subcore_parallel>], iteration_bounds = array<i64: 2, 16>, scalar_prefetch = 0 : i64, scratch_operands = 33 : i64, tpu.core_type = #tpu.core_type<sc_vector_subcore>, window_params = [{transform_indices = #map}, {transform_indices = #map}, {transform_indices = #map}]} {
    %mul3A = arith.constant 2 : i32
    %mul3A_0 = arith.muli %arg1, %mul3A : i32
    %add3A = arith.addi %mul3A_0, %arg0 : i32
    %mul3A_1 = arith.constant 102400 : i32
    %mul3A_2 = arith.muli %add3A, %mul3A_1 : i32
    %add3A_3 = arith.constant 0 : i32
    %add3A_4 = arith.addi %mul3A_2, %add3A_3 : i32
    %dma_start3A = tpu.memref_slice %arg2[%add3A_4] : memref<3276800xi32, #tpu.memory_space<hbm>> -> memref<6400xi32, #tpu.memory_space<hbm>>
    %dma_start3A_5 = tpu.memref_slice %arg2[%add3A_4] : memref<3276800xi32, #tpu.memory_space<hbm>> -> memref<6400xi32, #tpu.memory_space<hbm>>
    tpu.enqueue_dma source(%dma_start3A_5 : memref<6400xi32, #tpu.memory_space<hbm>>) target(%arg6 : memref<6400xi32, #tpu.memory_space<vmem>>) target_semaphore(%arg22 : memref<!tpu.dma_semaphore, #tpu.memory_space<semaphore_mem>>)
    %add3A_6 = arith.constant 6400 : i32
    %add3A_7 = arith.addi %mul3A_2, %add3A_6 : i32
    %dma_start3A_8 = tpu.memref_slice %arg2[%add3A_7] : memref<3276800xi32, #tpu.memory_space<hbm>> -> memref<6400xi32, #tpu.memory_space<hbm>>
    %dma_start3A_9 = tpu.memref_slice %arg2[%add3A_7] : memref<3276800xi32, #tpu.memory_space<hbm>> -> memref<6400xi32, #tpu.memory_space<hbm>>
    tpu.enqueue_dma source(%dma_start3A_9 : memref<6400xi32, #tpu.memory_space<hbm>>) target(%arg7 : memref<6400xi32, #tpu.memory_space<vmem>>) target_semaphore(%arg23 : memref<!tpu.dma_semaphore, #tpu.memory_space<semaphore_mem>>)
    %add3A_10 = arith.constant 12800 : i32
    %add3A_11 = arith.addi %mul3A_2, %add3A_10 : i32
    %dma_start3A_12 = tpu.memref_slice %arg2[%add3A_11] : memref<3276800xi32, #tpu.memory_space<hbm>> -> memref<6400xi32, #tpu.memory_space<hbm>>
    %dma_start3A_13 = tpu.memref_slice %arg2[%add3A_11] : memref<3276800xi32, #tpu.memory_space<hbm>> -> memref<6400xi32, #tpu.memory_space<hbm>>
    tpu.enqueue_dma source(%dma_start3A_13 : memref<6400xi32, #tpu.memory_space<hbm>>) target(%arg8 : memref<6400xi32, #tpu.memory_space<vmem>>) target_semaphore(%arg24 : memref<!tpu.dma_semaphore, #tpu.memory_space<semaphore_mem>>)
    %add3A_14 = arith.constant 19200 : i32
    %add3A_15 = arith.addi %mul3A_2, %add3A_14 : i32
    %dma_start3A_16 = tpu.memref_slice %arg2[%add3A_15] : memref<3276800xi32, #tpu.memory_space<hbm>> -> memref<6400xi32, #tpu.memory_space<hbm>>
    %dma_start3A_17 = tpu.memref_slice %arg2[%add3A_15] : memref<3276800xi32, #tpu.memory_space<hbm>> -> memref<6400xi32, #tpu.memory_space<hbm>>
    tpu.enqueue_dma source(%dma_start3A_17 : memref<6400xi32, #tpu.memory_space<hbm>>) target(%arg9 : memref<6400xi32, #tpu.memory_space<vmem>>) target_semaphore(%arg25 : memref<!tpu.dma_semaphore, #tpu.memory_space<semaphore_mem>>)
    %add3A_18 = arith.constant 25600 : i32
    %add3A_19 = arith.addi %mul3A_2, %add3A_18 : i32
    %dma_start3A_20 = tpu.memref_slice %arg2[%add3A_19] : memref<3276800xi32, #tpu.memory_space<hbm>> -> memref<6400xi32, #tpu.memory_space<hbm>>
    %dma_start3A_21 = tpu.memref_slice %arg2[%add3A_19] : memref<3276800xi32, #tpu.memory_space<hbm>> -> memref<6400xi32, #tpu.memory_space<hbm>>
    tpu.enqueue_dma source(%dma_start3A_21 : memref<6400xi32, #tpu.memory_space<hbm>>) target(%arg10 : memref<6400xi32, #tpu.memory_space<vmem>>) target_semaphore(%arg26 : memref<!tpu.dma_semaphore, #tpu.memory_space<semaphore_mem>>)
    %add3A_22 = arith.constant 32000 : i32
    %add3A_23 = arith.addi %mul3A_2, %add3A_22 : i32
    %dma_start3A_24 = tpu.memref_slice %arg2[%add3A_23] : memref<3276800xi32, #tpu.memory_space<hbm>> -> memref<6400xi32, #tpu.memory_space<hbm>>
    %dma_start3A_25 = tpu.memref_slice %arg2[%add3A_23] : memref<3276800xi32, #tpu.memory_space<hbm>> -> memref<6400xi32, #tpu.memory_space<hbm>>
    tpu.enqueue_dma source(%dma_start3A_25 : memref<6400xi32, #tpu.memory_space<hbm>>) target(%arg11 : memref<6400xi32, #tpu.memory_space<vmem>>) target_semaphore(%arg27 : memref<!tpu.dma_semaphore, #tpu.memory_space<semaphore_mem>>)
    %add3A_26 = arith.constant 38400 : i32
    %add3A_27 = arith.addi %mul3A_2, %add3A_26 : i32
    %dma_start3A_28 = tpu.memref_slice %arg2[%add3A_27] : memref<3276800xi32, #tpu.memory_space<hbm>> -> memref<6400xi32, #tpu.memory_space<hbm>>
    %dma_start3A_29 = tpu.memref_slice %arg2[%add3A_27] : memref<3276800xi32, #tpu.memory_space<hbm>> -> memref<6400xi32, #tpu.memory_space<hbm>>
    tpu.enqueue_dma source(%dma_start3A_29 : memref<6400xi32, #tpu.memory_space<hbm>>) target(%arg12 : memref<6400xi32, #tpu.memory_space<vmem>>) target_semaphore(%arg28 : memref<!tpu.dma_semaphore, #tpu.memory_space<semaphore_mem>>)
    %add3A_30 = arith.constant 44800 : i32
    %add3A_31 = arith.addi %mul3A_2, %add3A_30 : i32
    %dma_start3A_32 = tpu.memref_slice %arg2[%add3A_31] : memref<3276800xi32, #tpu.memory_space<hbm>> -> memref<6400xi32, #tpu.memory_space<hbm>>
    %dma_start3A_33 = tpu.memref_slice %arg2[%add3A_31] : memref<3276800xi32, #tpu.memory_space<hbm>> -> memref<6400xi32, #tpu.memory_space<hbm>>
    tpu.enqueue_dma source(%dma_start3A_33 : memref<6400xi32, #tpu.memory_space<hbm>>) target(%arg13 : memref<6400xi32, #tpu.memory_space<vmem>>) target_semaphore(%arg29 : memref<!tpu.dma_semaphore, #tpu.memory_space<semaphore_mem>>)
    "tpu.region"() ({
      %run_scoped3A = tpu.sem_alloc : memref<!tpu.dma_semaphore, #tpu.memory_space<semaphore_mem>>
      %dma_start3A_70 = arith.constant 0 : i32
      %dma_start3A_71 = tpu.memref_slice %arg5[%dma_start3A_70] : memref<16xf32, #tpu.memory_space<vmem>> -> memref<8xf32, #tpu.memory_space<vmem>>
      %dma_start3A_72 = arith.constant 0 : i32
      %dma_start3A_73 = tpu.memref_slice %arg5[%dma_start3A_72] : memref<16xf32, #tpu.memory_space<vmem>> -> memref<8xf32, #tpu.memory_space<vmem>>
      tpu.enqueue_dma source(%arg3 : memref<8xf32, #tpu.memory_space<hbm>>) target(%dma_start3A_73 : memref<8xf32, #tpu.memory_space<vmem>>) target_semaphore(%run_scoped3A : memref<!tpu.dma_semaphore, #tpu.memory_space<semaphore_mem>>)
      %dma_wait3A_74 = arith.constant 0 : i32
      %dma_wait3A_75 = tpu.memref_slice %arg5[%dma_wait3A_74] : memref<16xf32, #tpu.memory_space<vmem>> -> memref<8xf32, #tpu.memory_space<vmem>>
      %dma_wait3A_76 = arith.constant 0 : i32
      %dma_wait3A_77 = tpu.memref_slice %arg5[%dma_wait3A_76] : memref<16xf32, #tpu.memory_space<vmem>> -> memref<8xf32, #tpu.memory_space<vmem>>
      tpu.wait_dma2 semaphore(%run_scoped3A : memref<!tpu.dma_semaphore, #tpu.memory_space<semaphore_mem>>) src(%arg3 : memref<8xf32, #tpu.memory_space<hbm>>) dst(%dma_wait3A_77 : memref<8xf32, #tpu.memory_space<vmem>>)
      tpu.yield
    }) : () -> ()
    %scan3A = arith.constant 0 : i32
    %scan3A_34 = arith.constant 0 : i32
    %scan3A_35 = arith.constant 2 : i32
    %scan3A_36 = arith.addi %scan3A_34, %scan3A_35 : i32
    %scan3A_37 = arith.constant 1 : i32
    scf.for %scan3A_70 = %scan3A_34 to %scan3A_36 step %scan3A_37  : i32 {
      %mul3A_71 = arith.constant 8 : i32
      %mul3A_72 = arith.muli %scan3A_70, %mul3A_71 : i32
      %add3A_73 = arith.constant 0 : i32
      %add3A_74 = arith.addi %mul3A_72, %add3A_73 : i32
      %mul3A_75 = arith.constant 6400 : i32
      %mul3A_76 = arith.muli %add3A_74, %mul3A_75 : i32
      %add3A_77 = arith.addi %mul3A_2, %mul3A_76 : i32
      %dma_wait3A_78 = tpu.memref_slice %arg2[%add3A_77] : memref<3276800xi32, #tpu.memory_space<hbm>> -> memref<6400xi32, #tpu.memory_space<hbm>>
      %dma_wait3A_79 = tpu.memref_slice %arg2[%add3A_77] : memref<3276800xi32, #tpu.memory_space<hbm>> -> memref<6400xi32, #tpu.memory_space<hbm>>
      tpu.wait_dma2 semaphore(%arg22 : memref<!tpu.dma_semaphore, #tpu.memory_space<semaphore_mem>>) src(%dma_wait3A_79 : memref<6400xi32, #tpu.memory_space<hbm>>) dst(%arg6 : memref<6400xi32, #tpu.memory_space<vmem>>)
      %gt3A = arith.constant 0 : i32
      %gt3A_80 = arith.cmpi sgt, %scan3A_70, %gt3A : i32
      %convert_element_type3A = arith.extui %gt3A_80 : i1 to i32
      %cond3A = arith.constant 0 : i32
      %cond3A_81 = arith.cmpi ne, %convert_element_type3A, %cond3A : i32
      scf.if %cond3A_81 {
        %sub3A = arith.constant 8 : i32
        %sub3A_282 = arith.subi %add3A_74, %sub3A : i32
        %mul3A_283 = arith.constant 6400 : i32
        %mul3A_284 = arith.muli %sub3A_282, %mul3A_283 : i32
        %add3A_285 = arith.addi %mul3A_2, %mul3A_284 : i32
        %dma_wait3A_286 = tpu.memref_slice %arg4[%add3A_285] : memref<3276800xf32, #tpu.memory_space<hbm>> -> memref<6400xf32, #tpu.memory_space<hbm>>
        %dma_wait3A_287 = tpu.memref_slice %arg4[%add3A_285] : memref<3276800xf32, #tpu.memory_space<hbm>> -> memref<6400xf32, #tpu.memory_space<hbm>>
        tpu.wait_dma2 semaphore(%arg30 : memref<!tpu.dma_semaphore, #tpu.memory_space<semaphore_mem>>) src(%arg14 : memref<6400xf32, #tpu.memory_space<vmem>>) dst(%dma_wait3A_287 : memref<6400xf32, #tpu.memory_space<hbm>>)
      } else {
      }
      %parallel_loop3A = arith.constant 0 : i32
      %parallel_loop3A_82 = arith.constant 400 : i32
      %parallel_loop3A_83 = arith.constant 1 : i32
      scf.for %parallel_loop3A_282 = %parallel_loop3A to %parallel_loop3A_82 step %parallel_loop3A_83  : i32 {
        %parallel_loop3A_283 = arith.constant 16 : i32
        %parallel_loop3A_284 = arith.muli %parallel_loop3A_282, %parallel_loop3A_283 : i32
        %parallel_loop3A_285 = arith.index_cast %parallel_loop3A_284 : i32 to index
        %parallel_loop3A_286 = tpu.vector_load %arg6[%parallel_loop3A_285] {strides = array<i32>} : memref<6400xi32, #tpu.memory_space<vmem>>, vector<16xi32>,
        %parallel_loop3A_287 = tpu.vector_load_idx %arg5[%parallel_loop3A_286] : memref<16xf32, #tpu.memory_space<vmem>>[vector<16xi32>], vector<16xf32>,
        %parallel_loop3A_288 = arith.constant 16 : i32
        %parallel_loop3A_289 = arith.muli %parallel_loop3A_282, %parallel_loop3A_288 : i32
        %parallel_loop3A_290 = arith.index_cast %parallel_loop3A_289 : i32 to index
        %parallel_loop3A_291 = tpu.vector_load %arg14[%parallel_loop3A_290] {strides = array<i32>} : memref<6400xf32, #tpu.memory_space<vmem>>, vector<16xf32>,
        tpu.vector_store %arg14[%parallel_loop3A_290], %parallel_loop3A_287 {strides = array<i32>} : memref<6400xf32, #tpu.memory_space<vmem>>, vector<16xf32>,
      } {sc.loop_unroll_factor = 16 : i64, sc.parallel_access}
      %mul3A_84 = arith.constant 6400 : i32
      %mul3A_85 = arith.muli %add3A_74, %mul3A_84 : i32
      %add3A_86 = arith.addi %mul3A_2, %mul3A_85 : i32
      %dma_start3A_87 = tpu.memref_slice %arg4[%add3A_86] : memref<3276800xf32, #tpu.memory_space<hbm>> -> memref<6400xf32, #tpu.memory_space<hbm>>
      %dma_start3A_88 = tpu.memref_slice %arg4[%add3A_86] : memref<3276800xf32, #tpu.memory_space<hbm>> -> memref<6400xf32, #tpu.memory_space<hbm>>
      tpu.enqueue_dma source(%arg14 : memref<6400xf32, #tpu.memory_space<vmem>>) target(%dma_start3A_88 : memref<6400xf32, #tpu.memory_space<hbm>>) target_semaphore(%arg30 : memref<!tpu.dma_semaphore, #tpu.memory_space<semaphore_mem>>)
      %lt3A = arith.constant 1 : i32
      %lt3A_89 = arith.cmpi slt, %scan3A_70, %lt3A : i32
      %convert_element_type3A_90 = arith.extui %lt3A_89 : i1 to i32
      %cond3A_91 = arith.constant 0 : i32
      %cond3A_92 = arith.cmpi ne, %convert_element_type3A_90, %cond3A_91 : i32
      scf.if %cond3A_92 {
        %add3A_282 = arith.constant 8 : i32
        %add3A_283 = arith.addi %add3A_74, %add3A_282 : i32
        %mul3A_284 = arith.constant 6400 : i32
        %mul3A_285 = arith.muli %add3A_283, %mul3A_284 : i32
        %add3A_286 = arith.addi %mul3A_2, %mul3A_285 : i32
        %dma_start3A_287 = tpu.memref_slice %arg2[%add3A_286] : memref<3276800xi32, #tpu.memory_space<hbm>> -> memref<6400xi32, #tpu.memory_space<hbm>>
        %dma_start3A_288 = tpu.memref_slice %arg2[%add3A_286] : memref<3276800xi32, #tpu.memory_space<hbm>> -> memref<6400xi32, #tpu.memory_space<hbm>>
        tpu.enqueue_dma source(%dma_start3A_288 : memref<6400xi32, #tpu.memory_space<hbm>>) target(%arg6 : memref<6400xi32, #tpu.memory_space<vmem>>) target_semaphore(%arg22 : memref<!tpu.dma_semaphore, #tpu.memory_space<semaphore_mem>>)
      } else {
      }
      %mul3A_93 = arith.constant 8 : i32
      %mul3A_94 = arith.muli %scan3A_70, %mul3A_93 : i32
      %add3A_95 = arith.constant 1 : i32
      %add3A_96 = arith.addi %mul3A_94, %add3A_95 : i32
      %mul3A_97 = arith.constant 6400 : i32
      %mul3A_98 = arith.muli %add3A_96, %mul3A_97 : i32
      %add3A_99 = arith.addi %mul3A_2, %mul3A_98 : i32
      %dma_wait3A_100 = tpu.memref_slice %arg2[%add3A_99] : memref<3276800xi32, #tpu.memory_space<hbm>> -> memref<6400xi32, #tpu.memory_space<hbm>>
      %dma_wait3A_101 = tpu.memref_slice %arg2[%add3A_99] : memref<3276800xi32, #tpu.memory_space<hbm>> -> memref<6400xi32, #tpu.memory_space<hbm>>
      tpu.wait_dma2 semaphore(%arg23 : memref<!tpu.dma_semaphore, #tpu.memory_space<semaphore_mem>>) src(%dma_wait3A_101 : memref<6400xi32, #tpu.memory_space<hbm>>) dst(%arg7 : memref<6400xi32, #tpu.memory_space<vmem>>)
      %gt3A_102 = arith.constant 0 : i32
      %gt3A_103 = arith.cmpi sgt, %scan3A_70, %gt3A_102 : i32
      %convert_element_type3A_104 = arith.extui %gt3A_103 : i1 to i32
      %cond3A_105 = arith.constant 0 : i32
      %cond3A_106 = arith.cmpi ne, %convert_element_type3A_104, %cond3A_105 : i32
      scf.if %cond3A_106 {
        %sub3A = arith.constant 8 : i32
        %sub3A_282 = arith.subi %add3A_96, %sub3A : i32
        %mul3A_283 = arith.constant 6400 : i32
        %mul3A_284 = arith.muli %sub3A_282, %mul3A_283 : i32
        %add3A_285 = arith.addi %mul3A_2, %mul3A_284 : i32
        %dma_wait3A_286 = tpu.memref_slice %arg4[%add3A_285] : memref<3276800xf32, #tpu.memory_space<hbm>> -> memref<6400xf32, #tpu.memory_space<hbm>>
        %dma_wait3A_287 = tpu.memref_slice %arg4[%add3A_285] : memref<3276800xf32, #tpu.memory_space<hbm>> -> memref<6400xf32, #tpu.memory_space<hbm>>
        tpu.wait_dma2 semaphore(%arg31 : memref<!tpu.dma_semaphore, #tpu.memory_space<semaphore_mem>>) src(%arg15 : memref<6400xf32, #tpu.memory_space<vmem>>) dst(%dma_wait3A_287 : memref<6400xf32, #tpu.memory_space<hbm>>)
      } else {
      }
      %parallel_loop3A_107 = arith.constant 0 : i32
      %parallel_loop3A_108 = arith.constant 400 : i32
      %parallel_loop3A_109 = arith.constant 1 : i32
      scf.for %parallel_loop3A_282 = %parallel_loop3A_107 to %parallel_loop3A_108 step %parallel_loop3A_109  : i32 {
        %parallel_loop3A_283 = arith.constant 16 : i32
        %parallel_loop3A_284 = arith.muli %parallel_loop3A_282, %parallel_loop3A_283 : i32
        %parallel_loop3A_285 = arith.index_cast %parallel_loop3A_284 : i32 to index
        %parallel_loop3A_286 = tpu.vector_load %arg7[%parallel_loop3A_285] {strides = array<i32>} : memref<6400xi32, #tpu.memory_space<vmem>>, vector<16xi32>,
        %parallel_loop3A_287 = tpu.vector_load_idx %arg5[%parallel_loop3A_286] : memref<16xf32, #tpu.memory_space<vmem>>[vector<16xi32>], vector<16xf32>,
        %parallel_loop3A_288 = arith.constant 16 : i32
        %parallel_loop3A_289 = arith.muli %parallel_loop3A_282, %parallel_loop3A_288 : i32
        %parallel_loop3A_290 = arith.index_cast %parallel_loop3A_289 : i32 to index
        %parallel_loop3A_291 = tpu.vector_load %arg15[%parallel_loop3A_290] {strides = array<i32>} : memref<6400xf32, #tpu.memory_space<vmem>>, vector<16xf32>,
        tpu.vector_store %arg15[%parallel_loop3A_290], %parallel_loop3A_287 {strides = array<i32>} : memref<6400xf32, #tpu.memory_space<vmem>>, vector<16xf32>,
      } {sc.loop_unroll_factor = 16 : i64, sc.parallel_access}
      %mul3A_110 = arith.constant 6400 : i32
      %mul3A_111 = arith.muli %add3A_96, %mul3A_110 : i32
      %add3A_112 = arith.addi %mul3A_2, %mul3A_111 : i32
      %dma_start3A_113 = tpu.memref_slice %arg4[%add3A_112] : memref<3276800xf32, #tpu.memory_space<hbm>> -> memref<6400xf32, #tpu.memory_space<hbm>>
      %dma_start3A_114 = tpu.memref_slice %arg4[%add3A_112] : memref<3276800xf32, #tpu.memory_space<hbm>> -> memref<6400xf32, #tpu.memory_space<hbm>>
      tpu.enqueue_dma source(%arg15 : memref<6400xf32, #tpu.memory_space<vmem>>) target(%dma_start3A_114 : memref<6400xf32, #tpu.memory_space<hbm>>) target_semaphore(%arg31 : memref<!tpu.dma_semaphore, #tpu.memory_space<semaphore_mem>>)
      %lt3A_115 = arith.constant 1 : i32
      %lt3A_116 = arith.cmpi slt, %scan3A_70, %lt3A_115 : i32
      %convert_element_type3A_117 = arith.extui %lt3A_116 : i1 to i32
      %cond3A_118 = arith.constant 0 : i32
      %cond3A_119 = arith.cmpi ne, %convert_element_type3A_117, %cond3A_118 : i32
      scf.if %cond3A_119 {
        %add3A_282 = arith.constant 8 : i32
        %add3A_283 = arith.addi %add3A_96, %add3A_282 : i32
        %mul3A_284 = arith.constant 6400 : i32
        %mul3A_285 = arith.muli %add3A_283, %mul3A_284 : i32
        %add3A_286 = arith.addi %mul3A_2, %mul3A_285 : i32
        %dma_start3A_287 = tpu.memref_slice %arg2[%add3A_286] : memref<3276800xi32, #tpu.memory_space<hbm>> -> memref<6400xi32, #tpu.memory_space<hbm>>
        %dma_start3A_288 = tpu.memref_slice %arg2[%add3A_286] : memref<3276800xi32, #tpu.memory_space<hbm>> -> memref<6400xi32, #tpu.memory_space<hbm>>
        tpu.enqueue_dma source(%dma_start3A_288 : memref<6400xi32, #tpu.memory_space<hbm>>) target(%arg7 : memref<6400xi32, #tpu.memory_space<vmem>>) target_semaphore(%arg23 : memref<!tpu.dma_semaphore, #tpu.memory_space<semaphore_mem>>)
      } else {
      }
      %mul3A_120 = arith.constant 8 : i32
      %mul3A_121 = arith.muli %scan3A_70, %mul3A_120 : i32
      %add3A_122 = arith.constant 2 : i32
      %add3A_123 = arith.addi %mul3A_121, %add3A_122 : i32
      %mul3A_124 = arith.constant 6400 : i32
      %mul3A_125 = arith.muli %add3A_123, %mul3A_124 : i32
      %add3A_126 = arith.addi %mul3A_2, %mul3A_125 : i32
      %dma_wait3A_127 = tpu.memref_slice %arg2[%add3A_126] : memref<3276800xi32, #tpu.memory_space<hbm>> -> memref<6400xi32, #tpu.memory_space<hbm>>
      %dma_wait3A_128 = tpu.memref_slice %arg2[%add3A_126] : memref<3276800xi32, #tpu.memory_space<hbm>> -> memref<6400xi32, #tpu.memory_space<hbm>>
      tpu.wait_dma2 semaphore(%arg24 : memref<!tpu.dma_semaphore, #tpu.memory_space<semaphore_mem>>) src(%dma_wait3A_128 : memref<6400xi32, #tpu.memory_space<hbm>>) dst(%arg8 : memref<6400xi32, #tpu.memory_space<vmem>>)
      %gt3A_129 = arith.constant 0 : i32
      %gt3A_130 = arith.cmpi sgt, %scan3A_70, %gt3A_129 : i32
      %convert_element_type3A_131 = arith.extui %gt3A_130 : i1 to i32
      %cond3A_132 = arith.constant 0 : i32
      %cond3A_133 = arith.cmpi ne, %convert_element_type3A_131, %cond3A_132 : i32
      scf.if %cond3A_133 {
        %sub3A = arith.constant 8 : i32
        %sub3A_282 = arith.subi %add3A_123, %sub3A : i32
        %mul3A_283 = arith.constant 6400 : i32
        %mul3A_284 = arith.muli %sub3A_282, %mul3A_283 : i32
        %add3A_285 = arith.addi %mul3A_2, %mul3A_284 : i32
        %dma_wait3A_286 = tpu.memref_slice %arg4[%add3A_285] : memref<3276800xf32, #tpu.memory_space<hbm>> -> memref<6400xf32, #tpu.memory_space<hbm>>
        %dma_wait3A_287 = tpu.memref_slice %arg4[%add3A_285] : memref<3276800xf32, #tpu.memory_space<hbm>> -> memref<6400xf32, #tpu.memory_space<hbm>>
        tpu.wait_dma2 semaphore(%arg32 : memref<!tpu.dma_semaphore, #tpu.memory_space<semaphore_mem>>) src(%arg16 : memref<6400xf32, #tpu.memory_space<vmem>>) dst(%dma_wait3A_287 : memref<6400xf32, #tpu.memory_space<hbm>>)
      } else {
      }
      %parallel_loop3A_134 = arith.constant 0 : i32
      %parallel_loop3A_135 = arith.constant 400 : i32
      %parallel_loop3A_136 = arith.constant 1 : i32
      scf.for %parallel_loop3A_282 = %parallel_loop3A_134 to %parallel_loop3A_135 step %parallel_loop3A_136  : i32 {
        %parallel_loop3A_283 = arith.constant 16 : i32
        %parallel_loop3A_284 = arith.muli %parallel_loop3A_282, %parallel_loop3A_283 : i32
        %parallel_loop3A_285 = arith.index_cast %parallel_loop3A_284 : i32 to index
        %parallel_loop3A_286 = tpu.vector_load %arg8[%parallel_loop3A_285] {strides = array<i32>} : memref<6400xi32, #tpu.memory_space<vmem>>, vector<16xi32>,
        %parallel_loop3A_287 = tpu.vector_load_idx %arg5[%parallel_loop3A_286] : memref<16xf32, #tpu.memory_space<vmem>>[vector<16xi32>], vector<16xf32>,
        %parallel_loop3A_288 = arith.constant 16 : i32
        %parallel_loop3A_289 = arith.muli %parallel_loop3A_282, %parallel_loop3A_288 : i32
        %parallel_loop3A_290 = arith.index_cast %parallel_loop3A_289 : i32 to index
        %parallel_loop3A_291 = tpu.vector_load %arg16[%parallel_loop3A_290] {strides = array<i32>} : memref<6400xf32, #tpu.memory_space<vmem>>, vector<16xf32>,
        tpu.vector_store %arg16[%parallel_loop3A_290], %parallel_loop3A_287 {strides = array<i32>} : memref<6400xf32, #tpu.memory_space<vmem>>, vector<16xf32>,
      } {sc.loop_unroll_factor = 16 : i64, sc.parallel_access}
      %mul3A_137 = arith.constant 6400 : i32
      %mul3A_138 = arith.muli %add3A_123, %mul3A_137 : i32
      %add3A_139 = arith.addi %mul3A_2, %mul3A_138 : i32
      %dma_start3A_140 = tpu.memref_slice %arg4[%add3A_139] : memref<3276800xf32, #tpu.memory_space<hbm>> -> memref<6400xf32, #tpu.memory_space<hbm>>
      %dma_start3A_141 = tpu.memref_slice %arg4[%add3A_139] : memref<3276800xf32, #tpu.memory_space<hbm>> -> memref<6400xf32, #tpu.memory_space<hbm>>
      tpu.enqueue_dma source(%arg16 : memref<6400xf32, #tpu.memory_space<vmem>>) target(%dma_start3A_141 : memref<6400xf32, #tpu.memory_space<hbm>>) target_semaphore(%arg32 : memref<!tpu.dma_semaphore, #tpu.memory_space<semaphore_mem>>)
      %lt3A_142 = arith.constant 1 : i32
      %lt3A_143 = arith.cmpi slt, %scan3A_70, %lt3A_142 : i32
      %convert_element_type3A_144 = arith.extui %lt3A_143 : i1 to i32
      %cond3A_145 = arith.constant 0 : i32
      %cond3A_146 = arith.cmpi ne, %convert_element_type3A_144, %cond3A_145 : i32
      scf.if %cond3A_146 {
        %add3A_282 = arith.constant 8 : i32
        %add3A_283 = arith.addi %add3A_123, %add3A_282 : i32
        %mul3A_284 = arith.constant 6400 : i32
        %mul3A_285 = arith.muli %add3A_283, %mul3A_284 : i32
        %add3A_286 = arith.addi %mul3A_2, %mul3A_285 : i32
        %dma_start3A_287 = tpu.memref_slice %arg2[%add3A_286] : memref<3276800xi32, #tpu.memory_space<hbm>> -> memref<6400xi32, #tpu.memory_space<hbm>>
        %dma_start3A_288 = tpu.memref_slice %arg2[%add3A_286] : memref<3276800xi32, #tpu.memory_space<hbm>> -> memref<6400xi32, #tpu.memory_space<hbm>>
        tpu.enqueue_dma source(%dma_start3A_288 : memref<6400xi32, #tpu.memory_space<hbm>>) target(%arg8 : memref<6400xi32, #tpu.memory_space<vmem>>) target_semaphore(%arg24 : memref<!tpu.dma_semaphore, #tpu.memory_space<semaphore_mem>>)
      } else {
      }
      %mul3A_147 = arith.constant 8 : i32
      %mul3A_148 = arith.muli %scan3A_70, %mul3A_147 : i32
      %add3A_149 = arith.constant 3 : i32
      %add3A_150 = arith.addi %mul3A_148, %add3A_149 : i32
      %mul3A_151 = arith.constant 6400 : i32
      %mul3A_152 = arith.muli %add3A_150, %mul3A_151 : i32
      %add3A_153 = arith.addi %mul3A_2, %mul3A_152 : i32
      %dma_wait3A_154 = tpu.memref_slice %arg2[%add3A_153] : memref<3276800xi32, #tpu.memory_space<hbm>> -> memref<6400xi32, #tpu.memory_space<hbm>>
      %dma_wait3A_155 = tpu.memref_slice %arg2[%add3A_153] : memref<3276800xi32, #tpu.memory_space<hbm>> -> memref<6400xi32, #tpu.memory_space<hbm>>
      tpu.wait_dma2 semaphore(%arg25 : memref<!tpu.dma_semaphore, #tpu.memory_space<semaphore_mem>>) src(%dma_wait3A_155 : memref<6400xi32, #tpu.memory_space<hbm>>) dst(%arg9 : memref<6400xi32, #tpu.memory_space<vmem>>)
      %gt3A_156 = arith.constant 0 : i32
      %gt3A_157 = arith.cmpi sgt, %scan3A_70, %gt3A_156 : i32
      %convert_element_type3A_158 = arith.extui %gt3A_157 : i1 to i32
      %cond3A_159 = arith.constant 0 : i32
      %cond3A_160 = arith.cmpi ne, %convert_element_type3A_158, %cond3A_159 : i32
      scf.if %cond3A_160 {
        %sub3A = arith.constant 8 : i32
        %sub3A_282 = arith.subi %add3A_150, %sub3A : i32
        %mul3A_283 = arith.constant 6400 : i32
        %mul3A_284 = arith.muli %sub3A_282, %mul3A_283 : i32
        %add3A_285 = arith.addi %mul3A_2, %mul3A_284 : i32
        %dma_wait3A_286 = tpu.memref_slice %arg4[%add3A_285] : memref<3276800xf32, #tpu.memory_space<hbm>> -> memref<6400xf32, #tpu.memory_space<hbm>>
        %dma_wait3A_287 = tpu.memref_slice %arg4[%add3A_285] : memref<3276800xf32, #tpu.memory_space<hbm>> -> memref<6400xf32, #tpu.memory_space<hbm>>
        tpu.wait_dma2 semaphore(%arg33 : memref<!tpu.dma_semaphore, #tpu.memory_space<semaphore_mem>>) src(%arg17 : memref<6400xf32, #tpu.memory_space<vmem>>) dst(%dma_wait3A_287 : memref<6400xf32, #tpu.memory_space<hbm>>)
      } else {
      }
      %parallel_loop3A_161 = arith.constant 0 : i32
      %parallel_loop3A_162 = arith.constant 400 : i32
      %parallel_loop3A_163 = arith.constant 1 : i32
      scf.for %parallel_loop3A_282 = %parallel_loop3A_161 to %parallel_loop3A_162 step %parallel_loop3A_163  : i32 {
        %parallel_loop3A_283 = arith.constant 16 : i32
        %parallel_loop3A_284 = arith.muli %parallel_loop3A_282, %parallel_loop3A_283 : i32
        %parallel_loop3A_285 = arith.index_cast %parallel_loop3A_284 : i32 to index
        %parallel_loop3A_286 = tpu.vector_load %arg9[%parallel_loop3A_285] {strides = array<i32>} : memref<6400xi32, #tpu.memory_space<vmem>>, vector<16xi32>,
        %parallel_loop3A_287 = tpu.vector_load_idx %arg5[%parallel_loop3A_286] : memref<16xf32, #tpu.memory_space<vmem>>[vector<16xi32>], vector<16xf32>,
        %parallel_loop3A_288 = arith.constant 16 : i32
        %parallel_loop3A_289 = arith.muli %parallel_loop3A_282, %parallel_loop3A_288 : i32
        %parallel_loop3A_290 = arith.index_cast %parallel_loop3A_289 : i32 to index
        %parallel_loop3A_291 = tpu.vector_load %arg17[%parallel_loop3A_290] {strides = array<i32>} : memref<6400xf32, #tpu.memory_space<vmem>>, vector<16xf32>,
        tpu.vector_store %arg17[%parallel_loop3A_290], %parallel_loop3A_287 {strides = array<i32>} : memref<6400xf32, #tpu.memory_space<vmem>>, vector<16xf32>,
      } {sc.loop_unroll_factor = 16 : i64, sc.parallel_access}
      %mul3A_164 = arith.constant 6400 : i32
      %mul3A_165 = arith.muli %add3A_150, %mul3A_164 : i32
      %add3A_166 = arith.addi %mul3A_2, %mul3A_165 : i32
      %dma_start3A_167 = tpu.memref_slice %arg4[%add3A_166] : memref<3276800xf32, #tpu.memory_space<hbm>> -> memref<6400xf32, #tpu.memory_space<hbm>>
      %dma_start3A_168 = tpu.memref_slice %arg4[%add3A_166] : memref<3276800xf32, #tpu.memory_space<hbm>> -> memref<6400xf32, #tpu.memory_space<hbm>>
      tpu.enqueue_dma source(%arg17 : memref<6400xf32, #tpu.memory_space<vmem>>) target(%dma_start3A_168 : memref<6400xf32, #tpu.memory_space<hbm>>) target_semaphore(%arg33 : memref<!tpu.dma_semaphore, #tpu.memory_space<semaphore_mem>>)
      %lt3A_169 = arith.constant 1 : i32
      %lt3A_170 = arith.cmpi slt, %scan3A_70, %lt3A_169 : i32
      %convert_element_type3A_171 = arith.extui %lt3A_170 : i1 to i32
      %cond3A_172 = arith.constant 0 : i32
      %cond3A_173 = arith.cmpi ne, %convert_element_type3A_171, %cond3A_172 : i32
      scf.if %cond3A_173 {
        %add3A_282 = arith.constant 8 : i32
        %add3A_283 = arith.addi %add3A_150, %add3A_282 : i32
        %mul3A_284 = arith.constant 6400 : i32
        %mul3A_285 = arith.muli %add3A_283, %mul3A_284 : i32
        %add3A_286 = arith.addi %mul3A_2, %mul3A_285 : i32
        %dma_start3A_287 = tpu.memref_slice %arg2[%add3A_286] : memref<3276800xi32, #tpu.memory_space<hbm>> -> memref<6400xi32, #tpu.memory_space<hbm>>
        %dma_start3A_288 = tpu.memref_slice %arg2[%add3A_286] : memref<3276800xi32, #tpu.memory_space<hbm>> -> memref<6400xi32, #tpu.memory_space<hbm>>
        tpu.enqueue_dma source(%dma_start3A_288 : memref<6400xi32, #tpu.memory_space<hbm>>) target(%arg9 : memref<6400xi32, #tpu.memory_space<vmem>>) target_semaphore(%arg25 : memref<!tpu.dma_semaphore, #tpu.memory_space<semaphore_mem>>)
      } else {
      }
      %mul3A_174 = arith.constant 8 : i32
      %mul3A_175 = arith.muli %scan3A_70, %mul3A_174 : i32
      %add3A_176 = arith.constant 4 : i32
      %add3A_177 = arith.addi %mul3A_175, %add3A_176 : i32
      %mul3A_178 = arith.constant 6400 : i32
      %mul3A_179 = arith.muli %add3A_177, %mul3A_178 : i32
      %add3A_180 = arith.addi %mul3A_2, %mul3A_179 : i32
      %dma_wait3A_181 = tpu.memref_slice %arg2[%add3A_180] : memref<3276800xi32, #tpu.memory_space<hbm>> -> memref<6400xi32, #tpu.memory_space<hbm>>
      %dma_wait3A_182 = tpu.memref_slice %arg2[%add3A_180] : memref<3276800xi32, #tpu.memory_space<hbm>> -> memref<6400xi32, #tpu.memory_space<hbm>>
      tpu.wait_dma2 semaphore(%arg26 : memref<!tpu.dma_semaphore, #tpu.memory_space<semaphore_mem>>) src(%dma_wait3A_182 : memref<6400xi32, #tpu.memory_space<hbm>>) dst(%arg10 : memref<6400xi32, #tpu.memory_space<vmem>>)
      %gt3A_183 = arith.constant 0 : i32
      %gt3A_184 = arith.cmpi sgt, %scan3A_70, %gt3A_183 : i32
      %convert_element_type3A_185 = arith.extui %gt3A_184 : i1 to i32
      %cond3A_186 = arith.constant 0 : i32
      %cond3A_187 = arith.cmpi ne, %convert_element_type3A_185, %cond3A_186 : i32
      scf.if %cond3A_187 {
        %sub3A = arith.constant 8 : i32
        %sub3A_282 = arith.subi %add3A_177, %sub3A : i32
        %mul3A_283 = arith.constant 6400 : i32
        %mul3A_284 = arith.muli %sub3A_282, %mul3A_283 : i32
        %add3A_285 = arith.addi %mul3A_2, %mul3A_284 : i32
        %dma_wait3A_286 = tpu.memref_slice %arg4[%add3A_285] : memref<3276800xf32, #tpu.memory_space<hbm>> -> memref<6400xf32, #tpu.memory_space<hbm>>
        %dma_wait3A_287 = tpu.memref_slice %arg4[%add3A_285] : memref<3276800xf32, #tpu.memory_space<hbm>> -> memref<6400xf32, #tpu.memory_space<hbm>>
        tpu.wait_dma2 semaphore(%arg34 : memref<!tpu.dma_semaphore, #tpu.memory_space<semaphore_mem>>) src(%arg18 : memref<6400xf32, #tpu.memory_space<vmem>>) dst(%dma_wait3A_287 : memref<6400xf32, #tpu.memory_space<hbm>>)
      } else {
      }
      %parallel_loop3A_188 = arith.constant 0 : i32
      %parallel_loop3A_189 = arith.constant 400 : i32
      %parallel_loop3A_190 = arith.constant 1 : i32
      scf.for %parallel_loop3A_282 = %parallel_loop3A_188 to %parallel_loop3A_189 step %parallel_loop3A_190  : i32 {
        %parallel_loop3A_283 = arith.constant 16 : i32
        %parallel_loop3A_284 = arith.muli %parallel_loop3A_282, %parallel_loop3A_283 : i32
        %parallel_loop3A_285 = arith.index_cast %parallel_loop3A_284 : i32 to index
        %parallel_loop3A_286 = tpu.vector_load %arg10[%parallel_loop3A_285] {strides = array<i32>} : memref<6400xi32, #tpu.memory_space<vmem>>, vector<16xi32>,
        %parallel_loop3A_287 = tpu.vector_load_idx %arg5[%parallel_loop3A_286] : memref<16xf32, #tpu.memory_space<vmem>>[vector<16xi32>], vector<16xf32>,
        %parallel_loop3A_288 = arith.constant 16 : i32
        %parallel_loop3A_289 = arith.muli %parallel_loop3A_282, %parallel_loop3A_288 : i32
        %parallel_loop3A_290 = arith.index_cast %parallel_loop3A_289 : i32 to index
        %parallel_loop3A_291 = tpu.vector_load %arg18[%parallel_loop3A_290] {strides = array<i32>} : memref<6400xf32, #tpu.memory_space<vmem>>, vector<16xf32>,
        tpu.vector_store %arg18[%parallel_loop3A_290], %parallel_loop3A_287 {strides = array<i32>} : memref<6400xf32, #tpu.memory_space<vmem>>, vector<16xf32>,
      } {sc.loop_unroll_factor = 16 : i64, sc.parallel_access}
      %mul3A_191 = arith.constant 6400 : i32
      %mul3A_192 = arith.muli %add3A_177, %mul3A_191 : i32
      %add3A_193 = arith.addi %mul3A_2, %mul3A_192 : i32
      %dma_start3A_194 = tpu.memref_slice %arg4[%add3A_193] : memref<3276800xf32, #tpu.memory_space<hbm>> -> memref<6400xf32, #tpu.memory_space<hbm>>
      %dma_start3A_195 = tpu.memref_slice %arg4[%add3A_193] : memref<3276800xf32, #tpu.memory_space<hbm>> -> memref<6400xf32, #tpu.memory_space<hbm>>
      tpu.enqueue_dma source(%arg18 : memref<6400xf32, #tpu.memory_space<vmem>>) target(%dma_start3A_195 : memref<6400xf32, #tpu.memory_space<hbm>>) target_semaphore(%arg34 : memref<!tpu.dma_semaphore, #tpu.memory_space<semaphore_mem>>)
      %lt3A_196 = arith.constant 1 : i32
      %lt3A_197 = arith.cmpi slt, %scan3A_70, %lt3A_196 : i32
      %convert_element_type3A_198 = arith.extui %lt3A_197 : i1 to i32
      %cond3A_199 = arith.constant 0 : i32
      %cond3A_200 = arith.cmpi ne, %convert_element_type3A_198, %cond3A_199 : i32
      scf.if %cond3A_200 {
        %add3A_282 = arith.constant 8 : i32
        %add3A_283 = arith.addi %add3A_177, %add3A_282 : i32
        %mul3A_284 = arith.constant 6400 : i32
        %mul3A_285 = arith.muli %add3A_283, %mul3A_284 : i32
        %add3A_286 = arith.addi %mul3A_2, %mul3A_285 : i32
        %dma_start3A_287 = tpu.memref_slice %arg2[%add3A_286] : memref<3276800xi32, #tpu.memory_space<hbm>> -> memref<6400xi32, #tpu.memory_space<hbm>>
        %dma_start3A_288 = tpu.memref_slice %arg2[%add3A_286] : memref<3276800xi32, #tpu.memory_space<hbm>> -> memref<6400xi32, #tpu.memory_space<hbm>>
        tpu.enqueue_dma source(%dma_start3A_288 : memref<6400xi32, #tpu.memory_space<hbm>>) target(%arg10 : memref<6400xi32, #tpu.memory_space<vmem>>) target_semaphore(%arg26 : memref<!tpu.dma_semaphore, #tpu.memory_space<semaphore_mem>>)
      } else {
      }
      %mul3A_201 = arith.constant 8 : i32
      %mul3A_202 = arith.muli %scan3A_70, %mul3A_201 : i32
      %add3A_203 = arith.constant 5 : i32
      %add3A_204 = arith.addi %mul3A_202, %add3A_203 : i32
      %mul3A_205 = arith.constant 6400 : i32
      %mul3A_206 = arith.muli %add3A_204, %mul3A_205 : i32
      %add3A_207 = arith.addi %mul3A_2, %mul3A_206 : i32
      %dma_wait3A_208 = tpu.memref_slice %arg2[%add3A_207] : memref<3276800xi32, #tpu.memory_space<hbm>> -> memref<6400xi32, #tpu.memory_space<hbm>>
      %dma_wait3A_209 = tpu.memref_slice %arg2[%add3A_207] : memref<3276800xi32, #tpu.memory_space<hbm>> -> memref<6400xi32, #tpu.memory_space<hbm>>
      tpu.wait_dma2 semaphore(%arg27 : memref<!tpu.dma_semaphore, #tpu.memory_space<semaphore_mem>>) src(%dma_wait3A_209 : memref<6400xi32, #tpu.memory_space<hbm>>) dst(%arg11 : memref<6400xi32, #tpu.memory_space<vmem>>)
      %gt3A_210 = arith.constant 0 : i32
      %gt3A_211 = arith.cmpi sgt, %scan3A_70, %gt3A_210 : i32
      %convert_element_type3A_212 = arith.extui %gt3A_211 : i1 to i32
      %cond3A_213 = arith.constant 0 : i32
      %cond3A_214 = arith.cmpi ne, %convert_element_type3A_212, %cond3A_213 : i32
      scf.if %cond3A_214 {
        %sub3A = arith.constant 8 : i32
        %sub3A_282 = arith.subi %add3A_204, %sub3A : i32
        %mul3A_283 = arith.constant 6400 : i32
        %mul3A_284 = arith.muli %sub3A_282, %mul3A_283 : i32
        %add3A_285 = arith.addi %mul3A_2, %mul3A_284 : i32
        %dma_wait3A_286 = tpu.memref_slice %arg4[%add3A_285] : memref<3276800xf32, #tpu.memory_space<hbm>> -> memref<6400xf32, #tpu.memory_space<hbm>>
        %dma_wait3A_287 = tpu.memref_slice %arg4[%add3A_285] : memref<3276800xf32, #tpu.memory_space<hbm>> -> memref<6400xf32, #tpu.memory_space<hbm>>
        tpu.wait_dma2 semaphore(%arg35 : memref<!tpu.dma_semaphore, #tpu.memory_space<semaphore_mem>>) src(%arg19 : memref<6400xf32, #tpu.memory_space<vmem>>) dst(%dma_wait3A_287 : memref<6400xf32, #tpu.memory_space<hbm>>)
      } else {
      }
      %parallel_loop3A_215 = arith.constant 0 : i32
      %parallel_loop3A_216 = arith.constant 400 : i32
      %parallel_loop3A_217 = arith.constant 1 : i32
      scf.for %parallel_loop3A_282 = %parallel_loop3A_215 to %parallel_loop3A_216 step %parallel_loop3A_217  : i32 {
        %parallel_loop3A_283 = arith.constant 16 : i32
        %parallel_loop3A_284 = arith.muli %parallel_loop3A_282, %parallel_loop3A_283 : i32
        %parallel_loop3A_285 = arith.index_cast %parallel_loop3A_284 : i32 to index
        %parallel_loop3A_286 = tpu.vector_load %arg11[%parallel_loop3A_285] {strides = array<i32>} : memref<6400xi32, #tpu.memory_space<vmem>>, vector<16xi32>,
        %parallel_loop3A_287 = tpu.vector_load_idx %arg5[%parallel_loop3A_286] : memref<16xf32, #tpu.memory_space<vmem>>[vector<16xi32>], vector<16xf32>,
        %parallel_loop3A_288 = arith.constant 16 : i32
        %parallel_loop3A_289 = arith.muli %parallel_loop3A_282, %parallel_loop3A_288 : i32
        %parallel_loop3A_290 = arith.index_cast %parallel_loop3A_289 : i32 to index
        %parallel_loop3A_291 = tpu.vector_load %arg19[%parallel_loop3A_290] {strides = array<i32>} : memref<6400xf32, #tpu.memory_space<vmem>>, vector<16xf32>,
        tpu.vector_store %arg19[%parallel_loop3A_290], %parallel_loop3A_287 {strides = array<i32>} : memref<6400xf32, #tpu.memory_space<vmem>>, vector<16xf32>,
      } {sc.loop_unroll_factor = 16 : i64, sc.parallel_access}
      %mul3A_218 = arith.constant 6400 : i32
      %mul3A_219 = arith.muli %add3A_204, %mul3A_218 : i32
      %add3A_220 = arith.addi %mul3A_2, %mul3A_219 : i32
      %dma_start3A_221 = tpu.memref_slice %arg4[%add3A_220] : memref<3276800xf32, #tpu.memory_space<hbm>> -> memref<6400xf32, #tpu.memory_space<hbm>>
      %dma_start3A_222 = tpu.memref_slice %arg4[%add3A_220] : memref<3276800xf32, #tpu.memory_space<hbm>> -> memref<6400xf32, #tpu.memory_space<hbm>>
      tpu.enqueue_dma source(%arg19 : memref<6400xf32, #tpu.memory_space<vmem>>) target(%dma_start3A_222 : memref<6400xf32, #tpu.memory_space<hbm>>) target_semaphore(%arg35 : memref<!tpu.dma_semaphore, #tpu.memory_space<semaphore_mem>>)
      %lt3A_223 = arith.constant 1 : i32
      %lt3A_224 = arith.cmpi slt, %scan3A_70, %lt3A_223 : i32
      %convert_element_type3A_225 = arith.extui %lt3A_224 : i1 to i32
      %cond3A_226 = arith.constant 0 : i32
      %cond3A_227 = arith.cmpi ne, %convert_element_type3A_225, %cond3A_226 : i32
      scf.if %cond3A_227 {
        %add3A_282 = arith.constant 8 : i32
        %add3A_283 = arith.addi %add3A_204, %add3A_282 : i32
        %mul3A_284 = arith.constant 6400 : i32
        %mul3A_285 = arith.muli %add3A_283, %mul3A_284 : i32
        %add3A_286 = arith.addi %mul3A_2, %mul3A_285 : i32
        %dma_start3A_287 = tpu.memref_slice %arg2[%add3A_286] : memref<3276800xi32, #tpu.memory_space<hbm>> -> memref<6400xi32, #tpu.memory_space<hbm>>
        %dma_start3A_288 = tpu.memref_slice %arg2[%add3A_286] : memref<3276800xi32, #tpu.memory_space<hbm>> -> memref<6400xi32, #tpu.memory_space<hbm>>
        tpu.enqueue_dma source(%dma_start3A_288 : memref<6400xi32, #tpu.memory_space<hbm>>) target(%arg11 : memref<6400xi32, #tpu.memory_space<vmem>>) target_semaphore(%arg27 : memref<!tpu.dma_semaphore, #tpu.memory_space<semaphore_mem>>)
      } else {
      }
      %mul3A_228 = arith.constant 8 : i32
      %mul3A_229 = arith.muli %scan3A_70, %mul3A_228 : i32
      %add3A_230 = arith.constant 6 : i32
      %add3A_231 = arith.addi %mul3A_229, %add3A_230 : i32
      %mul3A_232 = arith.constant 6400 : i32
      %mul3A_233 = arith.muli %add3A_231, %mul3A_232 : i32
      %add3A_234 = arith.addi %mul3A_2, %mul3A_233 : i32
      %dma_wait3A_235 = tpu.memref_slice %arg2[%add3A_234] : memref<3276800xi32, #tpu.memory_space<hbm>> -> memref<6400xi32, #tpu.memory_space<hbm>>
      %dma_wait3A_236 = tpu.memref_slice %arg2[%add3A_234] : memref<3276800xi32, #tpu.memory_space<hbm>> -> memref<6400xi32, #tpu.memory_space<hbm>>
      tpu.wait_dma2 semaphore(%arg28 : memref<!tpu.dma_semaphore, #tpu.memory_space<semaphore_mem>>) src(%dma_wait3A_236 : memref<6400xi32, #tpu.memory_space<hbm>>) dst(%arg12 : memref<6400xi32, #tpu.memory_space<vmem>>)
      %gt3A_237 = arith.constant 0 : i32
      %gt3A_238 = arith.cmpi sgt, %scan3A_70, %gt3A_237 : i32
      %convert_element_type3A_239 = arith.extui %gt3A_238 : i1 to i32
      %cond3A_240 = arith.constant 0 : i32
      %cond3A_241 = arith.cmpi ne, %convert_element_type3A_239, %cond3A_240 : i32
      scf.if %cond3A_241 {
        %sub3A = arith.constant 8 : i32
        %sub3A_282 = arith.subi %add3A_231, %sub3A : i32
        %mul3A_283 = arith.constant 6400 : i32
        %mul3A_284 = arith.muli %sub3A_282, %mul3A_283 : i32
        %add3A_285 = arith.addi %mul3A_2, %mul3A_284 : i32
        %dma_wait3A_286 = tpu.memref_slice %arg4[%add3A_285] : memref<3276800xf32, #tpu.memory_space<hbm>> -> memref<6400xf32, #tpu.memory_space<hbm>>
        %dma_wait3A_287 = tpu.memref_slice %arg4[%add3A_285] : memref<3276800xf32, #tpu.memory_space<hbm>> -> memref<6400xf32, #tpu.memory_space<hbm>>
        tpu.wait_dma2 semaphore(%arg36 : memref<!tpu.dma_semaphore, #tpu.memory_space<semaphore_mem>>) src(%arg20 : memref<6400xf32, #tpu.memory_space<vmem>>) dst(%dma_wait3A_287 : memref<6400xf32, #tpu.memory_space<hbm>>)
      } else {
      }
      %parallel_loop3A_242 = arith.constant 0 : i32
      %parallel_loop3A_243 = arith.constant 400 : i32
      %parallel_loop3A_244 = arith.constant 1 : i32
      scf.for %parallel_loop3A_282 = %parallel_loop3A_242 to %parallel_loop3A_243 step %parallel_loop3A_244  : i32 {
        %parallel_loop3A_283 = arith.constant 16 : i32
        %parallel_loop3A_284 = arith.muli %parallel_loop3A_282, %parallel_loop3A_283 : i32
        %parallel_loop3A_285 = arith.index_cast %parallel_loop3A_284 : i32 to index
        %parallel_loop3A_286 = tpu.vector_load %arg12[%parallel_loop3A_285] {strides = array<i32>} : memref<6400xi32, #tpu.memory_space<vmem>>, vector<16xi32>,
        %parallel_loop3A_287 = tpu.vector_load_idx %arg5[%parallel_loop3A_286] : memref<16xf32, #tpu.memory_space<vmem>>[vector<16xi32>], vector<16xf32>,
        %parallel_loop3A_288 = arith.constant 16 : i32
        %parallel_loop3A_289 = arith.muli %parallel_loop3A_282, %parallel_loop3A_288 : i32
        %parallel_loop3A_290 = arith.index_cast %parallel_loop3A_289 : i32 to index
        %parallel_loop3A_291 = tpu.vector_load %arg20[%parallel_loop3A_290] {strides = array<i32>} : memref<6400xf32, #tpu.memory_space<vmem>>, vector<16xf32>,
        tpu.vector_store %arg20[%parallel_loop3A_290], %parallel_loop3A_287 {strides = array<i32>} : memref<6400xf32, #tpu.memory_space<vmem>>, vector<16xf32>,
      } {sc.loop_unroll_factor = 16 : i64, sc.parallel_access}
      %mul3A_245 = arith.constant 6400 : i32
      %mul3A_246 = arith.muli %add3A_231, %mul3A_245 : i32
      %add3A_247 = arith.addi %mul3A_2, %mul3A_246 : i32
      %dma_start3A_248 = tpu.memref_slice %arg4[%add3A_247] : memref<3276800xf32, #tpu.memory_space<hbm>> -> memref<6400xf32, #tpu.memory_space<hbm>>
      %dma_start3A_249 = tpu.memref_slice %arg4[%add3A_247] : memref<3276800xf32, #tpu.memory_space<hbm>> -> memref<6400xf32, #tpu.memory_space<hbm>>
      tpu.enqueue_dma source(%arg20 : memref<6400xf32, #tpu.memory_space<vmem>>) target(%dma_start3A_249 : memref<6400xf32, #tpu.memory_space<hbm>>) target_semaphore(%arg36 : memref<!tpu.dma_semaphore, #tpu.memory_space<semaphore_mem>>)
      %lt3A_250 = arith.constant 1 : i32
      %lt3A_251 = arith.cmpi slt, %scan3A_70, %lt3A_250 : i32
      %convert_element_type3A_252 = arith.extui %lt3A_251 : i1 to i32
      %cond3A_253 = arith.constant 0 : i32
      %cond3A_254 = arith.cmpi ne, %convert_element_type3A_252, %cond3A_253 : i32
      scf.if %cond3A_254 {
        %add3A_282 = arith.constant 8 : i32
        %add3A_283 = arith.addi %add3A_231, %add3A_282 : i32
        %mul3A_284 = arith.constant 6400 : i32
        %mul3A_285 = arith.muli %add3A_283, %mul3A_284 : i32
        %add3A_286 = arith.addi %mul3A_2, %mul3A_285 : i32
        %dma_start3A_287 = tpu.memref_slice %arg2[%add3A_286] : memref<3276800xi32, #tpu.memory_space<hbm>> -> memref<6400xi32, #tpu.memory_space<hbm>>
        %dma_start3A_288 = tpu.memref_slice %arg2[%add3A_286] : memref<3276800xi32, #tpu.memory_space<hbm>> -> memref<6400xi32, #tpu.memory_space<hbm>>
        tpu.enqueue_dma source(%dma_start3A_288 : memref<6400xi32, #tpu.memory_space<hbm>>) target(%arg12 : memref<6400xi32, #tpu.memory_space<vmem>>) target_semaphore(%arg28 : memref<!tpu.dma_semaphore, #tpu.memory_space<semaphore_mem>>)
      } else {
      }
      %mul3A_255 = arith.constant 8 : i32
      %mul3A_256 = arith.muli %scan3A_70, %mul3A_255 : i32
      %add3A_257 = arith.constant 7 : i32
      %add3A_258 = arith.addi %mul3A_256, %add3A_257 : i32
      %mul3A_259 = arith.constant 6400 : i32
      %mul3A_260 = arith.muli %add3A_258, %mul3A_259 : i32
      %add3A_261 = arith.addi %mul3A_2, %mul3A_260 : i32
      %dma_wait3A_262 = tpu.memref_slice %arg2[%add3A_261] : memref<3276800xi32, #tpu.memory_space<hbm>> -> memref<6400xi32, #tpu.memory_space<hbm>>
      %dma_wait3A_263 = tpu.memref_slice %arg2[%add3A_261] : memref<3276800xi32, #tpu.memory_space<hbm>> -> memref<6400xi32, #tpu.memory_space<hbm>>
      tpu.wait_dma2 semaphore(%arg29 : memref<!tpu.dma_semaphore, #tpu.memory_space<semaphore_mem>>) src(%dma_wait3A_263 : memref<6400xi32, #tpu.memory_space<hbm>>) dst(%arg13 : memref<6400xi32, #tpu.memory_space<vmem>>)
      %gt3A_264 = arith.constant 0 : i32
      %gt3A_265 = arith.cmpi sgt, %scan3A_70, %gt3A_264 : i32
      %convert_element_type3A_266 = arith.extui %gt3A_265 : i1 to i32
      %cond3A_267 = arith.constant 0 : i32
      %cond3A_268 = arith.cmpi ne, %convert_element_type3A_266, %cond3A_267 : i32
      scf.if %cond3A_268 {
        %sub3A = arith.constant 8 : i32
        %sub3A_282 = arith.subi %add3A_258, %sub3A : i32
        %mul3A_283 = arith.constant 6400 : i32
        %mul3A_284 = arith.muli %sub3A_282, %mul3A_283 : i32
        %add3A_285 = arith.addi %mul3A_2, %mul3A_284 : i32
        %dma_wait3A_286 = tpu.memref_slice %arg4[%add3A_285] : memref<3276800xf32, #tpu.memory_space<hbm>> -> memref<6400xf32, #tpu.memory_space<hbm>>
        %dma_wait3A_287 = tpu.memref_slice %arg4[%add3A_285] : memref<3276800xf32, #tpu.memory_space<hbm>> -> memref<6400xf32, #tpu.memory_space<hbm>>
        tpu.wait_dma2 semaphore(%arg37 : memref<!tpu.dma_semaphore, #tpu.memory_space<semaphore_mem>>) src(%arg21 : memref<6400xf32, #tpu.memory_space<vmem>>) dst(%dma_wait3A_287 : memref<6400xf32, #tpu.memory_space<hbm>>)
      } else {
      }
      %parallel_loop3A_269 = arith.constant 0 : i32
      %parallel_loop3A_270 = arith.constant 400 : i32
      %parallel_loop3A_271 = arith.constant 1 : i32
      scf.for %parallel_loop3A_282 = %parallel_loop3A_269 to %parallel_loop3A_270 step %parallel_loop3A_271  : i32 {
        %parallel_loop3A_283 = arith.constant 16 : i32
        %parallel_loop3A_284 = arith.muli %parallel_loop3A_282, %parallel_loop3A_283 : i32
        %parallel_loop3A_285 = arith.index_cast %parallel_loop3A_284 : i32 to index
        %parallel_loop3A_286 = tpu.vector_load %arg13[%parallel_loop3A_285] {strides = array<i32>} : memref<6400xi32, #tpu.memory_space<vmem>>, vector<16xi32>,
        %parallel_loop3A_287 = tpu.vector_load_idx %arg5[%parallel_loop3A_286] : memref<16xf32, #tpu.memory_space<vmem>>[vector<16xi32>], vector<16xf32>,
        %parallel_loop3A_288 = arith.constant 16 : i32
        %parallel_loop3A_289 = arith.muli %parallel_loop3A_282, %parallel_loop3A_288 : i32
        %parallel_loop3A_290 = arith.index_cast %parallel_loop3A_289 : i32 to index
        %parallel_loop3A_291 = tpu.vector_load %arg21[%parallel_loop3A_290] {strides = array<i32>} : memref<6400xf32, #tpu.memory_space<vmem>>, vector<16xf32>,
        tpu.vector_store %arg21[%parallel_loop3A_290], %parallel_loop3A_287 {strides = array<i32>} : memref<6400xf32, #tpu.memory_space<vmem>>, vector<16xf32>,
      } {sc.loop_unroll_factor = 16 : i64, sc.parallel_access}
      %mul3A_272 = arith.constant 6400 : i32
      %mul3A_273 = arith.muli %add3A_258, %mul3A_272 : i32
      %add3A_274 = arith.addi %mul3A_2, %mul3A_273 : i32
      %dma_start3A_275 = tpu.memref_slice %arg4[%add3A_274] : memref<3276800xf32, #tpu.memory_space<hbm>> -> memref<6400xf32, #tpu.memory_space<hbm>>
      %dma_start3A_276 = tpu.memref_slice %arg4[%add3A_274] : memref<3276800xf32, #tpu.memory_space<hbm>> -> memref<6400xf32, #tpu.memory_space<hbm>>
      tpu.enqueue_dma source(%arg21 : memref<6400xf32, #tpu.memory_space<vmem>>) target(%dma_start3A_276 : memref<6400xf32, #tpu.memory_space<hbm>>) target_semaphore(%arg37 : memref<!tpu.dma_semaphore, #tpu.memory_space<semaphore_mem>>)
      %lt3A_277 = arith.constant 1 : i32
      %lt3A_278 = arith.cmpi slt, %scan3A_70, %lt3A_277 : i32
      %convert_element_type3A_279 = arith.extui %lt3A_278 : i1 to i32
      %cond3A_280 = arith.constant 0 : i32
      %cond3A_281 = arith.cmpi ne, %convert_element_type3A_279, %cond3A_280 : i32
      scf.if %cond3A_281 {
        %add3A_282 = arith.constant 8 : i32
        %add3A_283 = arith.addi %add3A_258, %add3A_282 : i32
        %mul3A_284 = arith.constant 6400 : i32
        %mul3A_285 = arith.muli %add3A_283, %mul3A_284 : i32
        %add3A_286 = arith.addi %mul3A_2, %mul3A_285 : i32
        %dma_start3A_287 = tpu.memref_slice %arg2[%add3A_286] : memref<3276800xi32, #tpu.memory_space<hbm>> -> memref<6400xi32, #tpu.memory_space<hbm>>
        %dma_start3A_288 = tpu.memref_slice %arg2[%add3A_286] : memref<3276800xi32, #tpu.memory_space<hbm>> -> memref<6400xi32, #tpu.memory_space<hbm>>
        tpu.enqueue_dma source(%dma_start3A_288 : memref<6400xi32, #tpu.memory_space<hbm>>) target(%arg13 : memref<6400xi32, #tpu.memory_space<vmem>>) target_semaphore(%arg29 : memref<!tpu.dma_semaphore, #tpu.memory_space<semaphore_mem>>)
      } else {
      }
    }
    %scan3A_38 = arith.constant 2 : i32
    %add3A_39 = arith.constant 51200 : i32
    %add3A_40 = arith.addi %mul3A_2, %add3A_39 : i32
    %dma_wait3A = tpu.memref_slice %arg4[%add3A_40] : memref<3276800xf32, #tpu.memory_space<hbm>> -> memref<6400xf32, #tpu.memory_space<hbm>>
    %dma_wait3A_41 = tpu.memref_slice %arg4[%add3A_40] : memref<3276800xf32, #tpu.memory_space<hbm>> -> memref<6400xf32, #tpu.memory_space<hbm>>
    tpu.wait_dma2 semaphore(%arg30 : memref<!tpu.dma_semaphore, #tpu.memory_space<semaphore_mem>>) src(%arg14 : memref<6400xf32, #tpu.memory_space<vmem>>) dst(%dma_wait3A_41 : memref<6400xf32, #tpu.memory_space<hbm>>)
    %add3A_42 = arith.constant 57600 : i32
    %add3A_43 = arith.addi %mul3A_2, %add3A_42 : i32
    %dma_wait3A_44 = tpu.memref_slice %arg4[%add3A_43] : memref<3276800xf32, #tpu.memory_space<hbm>> -> memref<6400xf32, #tpu.memory_space<hbm>>
    %dma_wait3A_45 = tpu.memref_slice %arg4[%add3A_43] : memref<3276800xf32, #tpu.memory_space<hbm>> -> memref<6400xf32, #tpu.memory_space<hbm>>
    tpu.wait_dma2 semaphore(%arg31 : memref<!tpu.dma_semaphore, #tpu.memory_space<semaphore_mem>>) src(%arg15 : memref<6400xf32, #tpu.memory_space<vmem>>) dst(%dma_wait3A_45 : memref<6400xf32, #tpu.memory_space<hbm>>)
    %add3A_46 = arith.constant 64000 : i32
    %add3A_47 = arith.addi %mul3A_2, %add3A_46 : i32
    %dma_wait3A_48 = tpu.memref_slice %arg4[%add3A_47] : memref<3276800xf32, #tpu.memory_space<hbm>> -> memref<6400xf32, #tpu.memory_space<hbm>>
    %dma_wait3A_49 = tpu.memref_slice %arg4[%add3A_47] : memref<3276800xf32, #tpu.memory_space<hbm>> -> memref<6400xf32, #tpu.memory_space<hbm>>
    tpu.wait_dma2 semaphore(%arg32 : memref<!tpu.dma_semaphore, #tpu.memory_space<semaphore_mem>>) src(%arg16 : memref<6400xf32, #tpu.memory_space<vmem>>) dst(%dma_wait3A_49 : memref<6400xf32, #tpu.memory_space<hbm>>)
    %add3A_50 = arith.constant 70400 : i32
    %add3A_51 = arith.addi %mul3A_2, %add3A_50 : i32
    %dma_wait3A_52 = tpu.memref_slice %arg4[%add3A_51] : memref<3276800xf32, #tpu.memory_space<hbm>> -> memref<6400xf32, #tpu.memory_space<hbm>>
    %dma_wait3A_53 = tpu.memref_slice %arg4[%add3A_51] : memref<3276800xf32, #tpu.memory_space<hbm>> -> memref<6400xf32, #tpu.memory_space<hbm>>
    tpu.wait_dma2 semaphore(%arg33 : memref<!tpu.dma_semaphore, #tpu.memory_space<semaphore_mem>>) src(%arg17 : memref<6400xf32, #tpu.memory_space<vmem>>) dst(%dma_wait3A_53 : memref<6400xf32, #tpu.memory_space<hbm>>)
    %add3A_54 = arith.constant 76800 : i32
    %add3A_55 = arith.addi %mul3A_2, %add3A_54 : i32
    %dma_wait3A_56 = tpu.memref_slice %arg4[%add3A_55] : memref<3276800xf32, #tpu.memory_space<hbm>> -> memref<6400xf32, #tpu.memory_space<hbm>>
    %dma_wait3A_57 = tpu.memref_slice %arg4[%add3A_55] : memref<3276800xf32, #tpu.memory_space<hbm>> -> memref<6400xf32, #tpu.memory_space<hbm>>
    tpu.wait_dma2 semaphore(%arg34 : memref<!tpu.dma_semaphore, #tpu.memory_space<semaphore_mem>>) src(%arg18 : memref<6400xf32, #tpu.memory_space<vmem>>) dst(%dma_wait3A_57 : memref<6400xf32, #tpu.memory_space<hbm>>)
    %add3A_58 = arith.constant 83200 : i32
    %add3A_59 = arith.addi %mul3A_2, %add3A_58 : i32
    %dma_wait3A_60 = tpu.memref_slice %arg4[%add3A_59] : memref<3276800xf32, #tpu.memory_space<hbm>> -> memref<6400xf32, #tpu.memory_space<hbm>>
    %dma_wait3A_61 = tpu.memref_slice %arg4[%add3A_59] : memref<3276800xf32, #tpu.memory_space<hbm>> -> memref<6400xf32, #tpu.memory_space<hbm>>
    tpu.wait_dma2 semaphore(%arg35 : memref<!tpu.dma_semaphore, #tpu.memory_space<semaphore_mem>>) src(%arg19 : memref<6400xf32, #tpu.memory_space<vmem>>) dst(%dma_wait3A_61 : memref<6400xf32, #tpu.memory_space<hbm>>)
    %add3A_62 = arith.constant 89600 : i32
    %add3A_63 = arith.addi %mul3A_2, %add3A_62 : i32
    %dma_wait3A_64 = tpu.memref_slice %arg4[%add3A_63] : memref<3276800xf32, #tpu.memory_space<hbm>> -> memref<6400xf32, #tpu.memory_space<hbm>>
    %dma_wait3A_65 = tpu.memref_slice %arg4[%add3A_63] : memref<3276800xf32, #tpu.memory_space<hbm>> -> memref<6400xf32, #tpu.memory_space<hbm>>
    tpu.wait_dma2 semaphore(%arg36 : memref<!tpu.dma_semaphore, #tpu.memory_space<semaphore_mem>>) src(%arg20 : memref<6400xf32, #tpu.memory_space<vmem>>) dst(%dma_wait3A_65 : memref<6400xf32, #tpu.memory_space<hbm>>)
    %add3A_66 = arith.constant 96000 : i32
    %add3A_67 = arith.addi %mul3A_2, %add3A_66 : i32
    %dma_wait3A_68 = tpu.memref_slice %arg4[%add3A_67] : memref<3276800xf32, #tpu.memory_space<hbm>> -> memref<6400xf32, #tpu.memory_space<hbm>>
    %dma_wait3A_69 = tpu.memref_slice %arg4[%add3A_67] : memref<3276800xf32, #tpu.memory_space<hbm>> -> memref<6400xf32, #tpu.memory_space<hbm>>
    tpu.wait_dma2 semaphore(%arg37 : memref<!tpu.dma_semaphore, #tpu.memory_space<semaphore_mem>>) src(%arg21 : memref<6400xf32, #tpu.memory_space<vmem>>) dst(%dma_wait3A_69 : memref<6400xf32, #tpu.memory_space<hbm>>)
    return
  }
}

</mosaic_0001>

<sc_bundles>
// kernel: _sc_gather.3.cloned.1.call-start
scs
__scs_entry_jumppad:
0x0: {  	(pc) =	sbr.rel $0x88, $3  }
0x1: {  	(tag) =	ssettag $0x0;
	lr =	simm.s32 $0x1  }
0x2: {  	[smem:$0x3F9F] =	sst lr;
	_ =	strace $0xD0000000  }
0x3: {  	_ = 	snop  }
0x4: {  	_ = 	snop  }
0x5: {  	_ = 	snop  }
0x6: {  	_ = 	snop  }
0x7: {  	_ = 	snop  }
__scs_overlays_trampoline_lowered:
0x8: {  	[smem:$0x3FAE] =	sst s0  }
0x9: {  	[smem:$0x3FAF] =	sst s1  }
0xa: {  	[smem:$0x3FB0] =	sst s2  }
0xb: {  	[smem:$0x3FB1] =	sst s3  }
0xc: {  	[smem:$0x3FB2] =	sst s4  }
0xd: {  	[smem:$0x3FB3] =	sst s5  }
0xe: {  	[smem:$0x3FB4] =	sst s6  }
0xf: {  	[smem:$0x3FB5] =	sst s7  }
0x10: {  	[smem:$0x3FB6] =	sst s8  }
0x11: {  	[smem:$0x3FB7] =	sst s9;
	s0 =	simm.s32 @!p0 $0x0  }
0x12: {  	s1 =	sld [smem:$0x3F9D];
	s0 =	simm.s32 @p0 $0x1  }
0x13: {  	[smem:$0x3FB8] =	sst s0;
	s0 =	simm.s32 @!p1 $0x0  }
0x14: {  	s2 =	sld [smem:$0x3F9C];
	s0 =	simm.s32 @p1 $0x1  }
0x15: {  	[smem:$0x3FB9] =	sst s0;
	s0 =	simm.s32 @!p2 $0x0  }
0x16: {  	s3 =	sld [smem:$0x3FDB];
	s0 =	simm.s32 @p2 $0x1  }
0x17: {  	s4 =	simm.s32 $0x1BF5;
	[smem:$0x3FBB] =	sst s0  }
0x18: {  	s0 =	sld [smem:$0x3F9E];
	_ =	swait.ge [sflag:s4], $0x0  }
0x19: {  	s7 =	sld [smem:$0x3F9F]  }
0x1a: {  	s8 =	sadd.s32 $0xFFFFE003, lr  }
0x1b: {  	s9 =	sadd.s32 $0xFFFFFEF7, lr;
	s5 =	simm.s32 $0xFFFFFFFF;
	p2 =	slt.u32 s8, $0xFFFFF086  }
0x1c: {  	p1 =	slt.u32 s9, $0xF7A;
	s5 =	simm.s32 @!p2 $0x0  }
0x1d: {  	s5 =	simm.s32 @p1 $0x1;
	p0 =	seq.s32 s7, s2  }
0x1e: {  	s7 =	smul.u32 @!p0 $0xF7A, s2;
	p2 =	seq.s32 @!p0 s5, $0x0  }
0x1f: {  	s9 =	smul.u32 $0xF7A, s1;
	s8 =	simm.s32 @!p0 $0x1BF5;
	p2 =	por !p2, p0  }
0x20: {  	[sflag:s8] =	ssyncset.s32 @!p0 $0xFFFFF086;
	s6 =	sadd.s32 @!p0 s3, s7;
	s7 =	simm.s32 @!p0 $0x108  }
0x21: {  	s3 =	sadd.s32 s3, s9;
	s6 =	sadd.s32 @!p0 $0x88, s6;
	s7 =	simm.s32 @p2 $0x1082  }
0x22: {  	[simem:s7], [sflag:s8] =	dma.local @!p0 [hbm:s6], $0xF7A  }
0x23: {  	s9 =	sor.u32 $0xD0000000, s2;
	s6 =	simm.s32 $0x108;
	_ =	swait.ge @!p0 [sflag:s8], $0x0  }
0x24: {  	s3 =	sadd.s32 $0x88, s3;
	s6 =	simm.s32 @!p1 $0x1082;
	[sflag:s4] =	ssyncset.s32 $0xFFFFF086  }
0x25: {  	[simem:s6], [sflag:s4] =	dma.local [hbm:s3], $0xF7A  }
0x26: {  	[smem:$0x3F9F] =	sst s1;
	(tag) =	ssettag s2;
	_ =	strace s9  }
0x27: {  	s1 =	sld [smem:$0x3FAF]  }
0x28: {  	s2 =	sld [smem:$0x3FB0]  }
0x29: {  	s4 =	sld [smem:$0x3FB2]  }
0x2a: {  	p0 =	seq.s32 s5, $0x0;
	s5 =	sld [smem:$0x3FB3]  }
0x2b: {  	s6 =	sld [smem:$0x3FB4]  }
0x2c: {  	s7 =	sld [smem:$0x3FB5]  }
0x2d: {  	s3 =	simm.s32 $0x108;
	s8 =	sld [smem:$0x3FB6]  }
0x2e: {  	s3 =	simm.s32 @!p0 $0x1082;
	s9 =	sld [smem:$0x3FB7]  }
0x2f: {  	lr =	sadd.s32 s0, s3;
	s0 =	sld [smem:$0x3FAE]  }
0x30: {  	s3 =	sld [smem:$0x3FB1]  }
0x31: {  	[smem:$0x3FBA] =	sst s10  }
0x32: {  	s10 =	sld [smem:$0x3FB8];
	_ =	sdelay $0x3  }
0x33: {  	p0 =	seq.s32 s10, $0x1;
	s10 =	sld [smem:$0x3FBA];
	_ =	sdelay $0x3  }
0x34: {  	[smem:$0x3FBA] =	sst s10  }
0x35: {  	s10 =	sld [smem:$0x3FB9];
	_ =	sdelay $0x3  }
0x36: {  	p1 =	seq.s32 s10, $0x1;
	s10 =	sld [smem:$0x3FBA];
	_ =	sdelay $0x3  }
0x37: {  	[smem:$0x3FBA] =	sst s10  }
0x38: {  	s10 =	sld [smem:$0x3FBB]  }
0x39: {  	_ = 	snop;
	(pc) =	sbr.ind lr, $3  }
0x3a: {  	_ = 	snop  }
0x3b: {  	_ = 	snop  }
0x3c: {  	p2 =	seq.s32 s10, $0x1;
	s10 =	sld [smem:$0x3FBA]  }
0x3d: {  	_ =	shalt  }
0x3e: {  	_ =	shalt  }
0x3f: {  	_ =	shalt  }
0x40: {  	_ =	shalt  }
0x41: {  	_ =	shalt  }
0x42: {  	_ =	shalt  }
0x43: {  	_ =	shalt  }
0x44: {  	_ =	shalt  }
0x45: {  	_ =	shalt  }
0x46: {  	_ =	shalt  }
0x47: {  	_ =	shalt  }
0x48: {  	_ =	shalt  }
0x49: {  	_ =	shalt  }
0x4a: {  	_ =	shalt  }
0x4b: {  	_ =	shalt  }
0x4c: {  	_ =	shalt  }
0x4d: {  	_ =	shalt  }
0x4e: {  	_ =	shalt  }
0x4f: {  	_ =	shalt  }
0x50: {  	_ =	shalt  }
0x51: {  	_ =	shalt  }
0x52: {  	_ =	shalt  }
0x53: {  	_ =	shalt  }
0x54: {  	_ =	shalt  }
0x55: {  	_ =	shalt  }
0x56: {  	_ =	shalt  }
0x57: {  	_ =	shalt  }
0x58: {  	_ =	shalt  }
0x59: {  	_ =	shalt  }
0x5a: {  	_ =	shalt  }
0x5b: {  	_ =	shalt  }
0x5c: {  	_ =	shalt  }
0x5d: {  	_ =	shalt  }
0x5e: {  	_ =	shalt  }
0x5f: {  	_ =	shalt  }
0x60: {  	_ =	shalt  }
0x61: {  	_ =	shalt  }
0x62: {  	_ =	shalt  }
0x63: {  	_ =	shalt  }
0x64: {  	_ =	shalt  }
0x65: {  	_ =	shalt  }
0x66: {  	_ =	shalt  }
0x67: {  	_ =	shalt  }
0x68: {  	_ =	shalt  }
0x69: {  	_ =	shalt  }
0x6a: {  	_ =	shalt  }
0x6b: {  	_ =	shalt  }
0x6c: {  	_ =	shalt  }
0x6d: {  	_ =	shalt  }
0x6e: {  	_ =	shalt  }
0x6f: {  	_ =	shalt  }
0x70: {  	_ =	shalt  }
0x71: {  	_ =	shalt  }
0x72: {  	_ =	shalt  }
0x73: {  	_ =	shalt  }
0x74: {  	_ =	shalt  }
0x75: {  	_ =	shalt  }
0x76: {  	_ =	shalt  }
0x77: {  	_ =	shalt  }
0x78: {  	_ =	shalt  }
0x79: {  	_ =	shalt  }
0x7a: {  	_ =	shalt  }
0x7b: {  	_ =	shalt  }
0x7c: {  	_ =	shalt  }
0x7d: {  	_ =	shalt  }
0x7e: {  	_ =	shalt  }
0x7f: {  	_ =	shalt  }
0x80: {  	_ =	shalt  }
0x81: {  	_ =	shalt  }
0x82: {  	_ =	shalt  }
0x83: {  	_ =	shalt  }
0x84: {  	_ =	shalt  }
0x85: {  	_ =	shalt  }
0x86: {  	_ =	shalt  }
0x87: {  	_ =	shalt  }
.Lfunc_end0:
.L_simem_size_0:
called_computation_lowered:
.L_overlay_start_0:
0x88: {  	s2 =	sld [smem:$0x3FD9]  }
0x89: {  	s3 =	sld [smem:$0x3FFE];
	_ =	sdelay $0x1  }
0x8a: {  	s1 =	srdreg.scid  }
0x8b: {  	s0 =	sand.u32 $0x1, s1  }
0x8c: {  	s18 =	sshll.u32 s0, $0xA;
	s2 =	sadd.s32 s3, s2  }
0x8d: {  	s2 =	sadd.s32 s2, s18  }
0x8e: {  	[smem:$0x3FC6] =	sst s2  }
0x8f: {  	_ = 	snop  }
0x90: {  	s2 =	sld [smem:$0x3FC9]  }
0x91: {  	s19 =	sld [smem:$0x3FC8]  }
0x92: {  	s4 =	sld [smem:$0x3FD0];
	(tm) =	ssettm $0x1  }
0x93: {  	s5 =	sld [smem:$0x3FFB];
	_ =	sdelay $0x3  }
0x94: {  	_ =	strace s5  }
0x95: {  	s5 =	sld [smem:$0x3FFC];
	_ =	sdelay $0x3  }
0x96: {  	_ =	strace s5  }
0x97: {  	s5 =	sld [smem:$0x3FFD];
	_ =	sdelay $0x3  }
0x98: {  	_ =	strace s5  }
0x99: {  	_ =	strace $0x8FFFFFFF  }
0x9a: {  	s20 =	sld [smem:$0x3FDB];
	_ =	sdelay $0x1  }
0x9b: {  	s6 =	simm.s32 $_scs_section_size  }
0x9c: {  	s7 =	simm.s32 $_size__tile_overlayer_lowered;
	s8 =	simm.s32 $_tile_overlayer_lowered  }
0x9d: {  	s23 =	simm.s32 $0x1BFF;
	s22 =	sshll.u32 s8, $0x1;
	s5 =	sadd.s32 s6, s20  }
0x9e: {  	s9 =	simm.s32 $0x0;
	s21 =	sshll.u32 s7, $0x1;
	s7 =	sadd.s32 s22, s5  }
0x9f: {  	[timem:s9], [sflag:s23] =	dma.local [hbm:s7], s21  }
0xa0: {  	_ =	swait.ge [sflag:s23], s21  }
0xa1: {  	s6 =	ssub.s32 $0x0, s21;
	[sflag:s23] =	ssyncset.done $0x0  }
0xa2: {  	[sflag:s23] =	ssyncadd.s32 s6;
	_ =	sdelay $0x1  }
0xa3: {  	s24 =	simm.s32 $0x1B8B  }
0xa4: {  	_ =	swait.ge [sflag:s24], $0x1  }
0xa5: {  	[sflag:s24] =	ssyncset.done $0x0  }
0xa6: {  	s25 =	simm.s32 $0x1B8E;
	[sflag:s24] =	ssyncadd.s32 $0xFFFFFFFF  }
0xa7: {  	s26 =	simm.s32 $execute0_lowered;
	[smem:$0x3FD2] =	sst s25  }
0xa8: {  	s6 =	sshll.u32 s26, $0x1;
	_ =	strace $0x80000046;
	[dreg:$0x1] =	wrdreg $0xFFFFFFFF  }
0xa9: {  	s28 =	simm.s32 $_size_execute0_lowered;
	s5 =	sadd.s32 s5, s6;
	[dreg:$0x0] =	wrdreg $0x0  }
0xaa: {  	s6 =	sshll.u32 s28, $0x1;
	[dreg:$0x2] =	wrdreg s5  }
0xab: {  	[dreg:$0x3] =	wrdreg s6  }
0xac: {  	[dreg:$0x4] =	wrdreg $0xC0  }
0xad: {  	_ =	task [dreg:s9], $0x5FFFF  }
0xae: {  	[dreg:$0x1] =	wrdreg $0xFFFFFFFF  }
0xaf: {  	[dreg:$0x0] =	wrdreg $0x60  }
0xb0: {  	[dreg:$0x2] =	wrdreg s2  }
0xb1: {  	[dreg:$0x3] =	wrdreg s19  }
0xb2: {  	[dreg:$0x4] =	wrdreg s4  }
0xb3: {  	[dreg:$0x5] =	wrdreg $0x9  }
0xb4: {  	_ =	task.clear_ibuf [dreg:s9], $0x6FFFF;
	_ =	strace $0x90000046  }
0xb5: {  	s29 =	simm.s32 $0x9;
	_ =	strace $0x80000048  }
0xb6: {  	_ =	swait.ge [sflag:s29], $0x1  }
0xb7: {  	[sflag:s29] =	ssyncadd.s32 $0xFFFFFFFF  }
0xb8: {  	_ =	strace $0x90000048  }
0xb9: {  	_ =	sfence  }
0xba: {  	s30 =	sld [smem:$0x0];
	_ =	sdelay $0x2  }
0xbb: {  	s31 =	sshll.u32 s1, $0xD;
	s1 =	sshrl.u32 s1, $0x2  }
0xbc: {  	s3 =	sand.u32 $0x4000, s31;
	s1 =	sadd.s32 s1, s30  }
0xbd: {  	s0 =	sor.u32 s3, s0;
	s1 =	sshll.u32 s1, $0x11  }
0xbe: {  	s0 =	sor.u32 s1, s0  }
0xbf: {  	s0 =	sadd.s32 $0x8F2B, s0  }
0xc0: {  	[sflag:s0] =	ssyncadd.remote.s32 $0x1  }
0xc1: {  	_ =	sfence.sel $0xFFFF  }
0xc2: {  	[dreg:$0x0] =	wrdreg $0xFFFFFFFF;
	(pc) =	sbr.abs _section_cstart, $3  }
0xc3: {  	[dreg:$0x1] =	wrdreg $0xFFFFFFFF  }
0xc4: {  	_ =	task.clear_ibuf [dreg:s9], $0x2FFFF;
	_ =	strace $0x9FFFFFFF  }
0xc5: {  	(tm) =	ssettm $0x7FFFFFFF  }
tec
execute0_lowered:
.L_overlay_start_1:
0x0: {  	(tag) =	ssettag $0x1  }
0x1: {  	s1 =	srdreg.scid;
	s2 =	stileid.u32  }
0x2: {  	s0 =	rddreg [dreg:$0x0];
	s1 =	sand.u32 $0x1, s1;
	s2 =	sshll.u32 s2, $0x1  }
0x3: {  	s3 =	rddreg [dreg:$0x2];
	s4 =	simm.s32 $0x0;
	s2 =	sor.u32 s1, s2  }
0x4: {  	s13 =	simm.s32 $0x3;
	s1 =	ssub.s32 $0x2, s1;
	s5 =	smul.u32 $0x19000, s2  }
0x5: {  	s12 =	simm.s32 $0x8;
	[smem:$0x7FF] =	sst s4;
	s17 =	sshrl.u32 s1, $0x1  }
0x6: {  	_ =	strace $0x80000047;
	s1 =	ssub.s32 s1, s17;
	s6 =	sadd.s32 $0x1900, s5  }
0x7: {  	s18 =	sshrl.u32 s5, $0x3;
	s9 =	sadd.s32 $0x3200, s5;
	s10 =	sadd.s32 $0x4B00, s5  }
0x8: {  	s11 =	sadd.s32 $0x6400, s5;
	s15 =	sadd.s32 $0x7D00, s5;
	s16 =	sadd.s32 $0x9600, s5  }
0x9: {  	s17 =	sadd.s32 $0xAF00, s5;
	s31 =	smax.u32 s1, $0x1;
	s1 =	simm.s32 $0x1  }
0xa: {  	s7 =	sshrl.u32 s6, $0x3;
	s8 =	sadd.s32 s0, s18;
	s20 =	sshrl.u32 s9, $0x3  }
0xb: {  	s21 =	sshrl.u32 s10, $0x3;
	s22 =	sshrl.u32 s11, $0x3;
	s24 =	sshrl.u32 s15, $0x3  }
0xc: {  	s25 =	sshrl.u32 s16, $0x3;
	s26 =	sshrl.u32 s17, $0x3;
	[dreg:$0xc] =	wrdreg s31  }
0xd: {  	s18 =	simm.s32 $0x4;
	s19 =	sadd.s32 s0, s7;
	s2 =	sadd.s32 s0, s20  }
0xe: {  	s23 =	sadd.s32 s0, s22;
	s22 =	sadd.s32 $0x1C20, s8;
	[dreg:$0x4] =	wrdreg s8  }
0xf: {  	s28 =	sadd.s32 $0x28A0, s8;
	s29 =	sadd.s32 $0x2BC0, s8;
	[dreg:$0x5] =	wrdreg s19  }
0x10: {  	s30 =	sadd.s32 $0x2EE0, s8;
	s20 =	simm.s32 $0x5;
	[dreg:$0x6] =	wrdreg s2  }
0x11: {  	s7 =	simm.s32 $0x6;
	s2 =	sadd.s32 s0, s21;
	[dreg:$0x8] =	wrdreg s23  }
.Ltmp0:
0x12: {  	s21 =	sadd.s32 $0x1900, s8;
	s23 =	sadd.s32 $0x1F40, s8;
	(pc) =	sbr.rel .LBB2_1-.Ltmp0, $4  }
0x13: {  	s19 =	simm.s32 $0x0;
	[dreg:$0x7] =	wrdreg s2;
	s2 =	sadd.s32 s0, s24  }
0x14: {  	s24 =	sadd.s32 $0x2260, s8;
	[dreg:$0x9] =	wrdreg s2;
	s2 =	sadd.s32 s0, s25  }
0x15: {  	s0 =	sadd.s32 s0, s26;
	s26 =	sadd.s32 $0x2580, s8;
	[dreg:$0xa] =	wrdreg s2  }
0x16: {  	s8 =	simm.s32 $0x2;
	[dreg:$0xb] =	wrdreg s0;
	s2 =	simm.s32 $0x7  }
.LBB2_20:
0x17: {  	s0 =	simm.s32 $0x9  }
0x18: {  	_ =	swait.ge [sflag:s0], $0x1900  }
0x19: {  	[sflag:s0] =	ssyncset.done $0x0  }
0x1a: {  	s19 =	simm.s32 $0xA;
	[sflag:s0] =	ssyncadd.s32 $0xFFFFE700  }
0x1b: {  	_ =	swait.ge [sflag:s19], $0x1900  }
0x1c: {  	[sflag:s19] =	ssyncset.done $0x0  }
0x1d: {  	s25 =	simm.s32 $0xB;
	[sflag:s19] =	ssyncadd.s32 $0xFFFFE700  }
0x1e: {  	_ =	swait.ge [sflag:s25], $0x1900  }
0x1f: {  	[sflag:s25] =	ssyncset.done $0x0  }
0x20: {  	s31 =	simm.s32 $0xC;
	[sflag:s25] =	ssyncadd.s32 $0xFFFFE700  }
0x21: {  	_ =	swait.ge [sflag:s31], $0x1900  }
0x22: {  	[sflag:s31] =	ssyncset.done $0x0  }
0x23: {  	s14 =	simm.s32 $0xD;
	[sflag:s31] =	ssyncadd.s32 $0xFFFFE700  }
0x24: {  	_ =	swait.ge [sflag:s14], $0x1900  }
0x25: {  	[sflag:s14] =	ssyncset.done $0x0  }
0x26: {  	s19 =	simm.s32 $0xE;
	[sflag:s14] =	ssyncadd.s32 $0xFFFFE700  }
0x27: {  	_ =	swait.ge [sflag:s19], $0x1900  }
0x28: {  	[sflag:s19] =	ssyncset.done $0x0  }
0x29: {  	s25 =	simm.s32 $0xF;
	[sflag:s19] =	ssyncadd.s32 $0xFFFFE700  }
0x2a: {  	_ =	swait.ge [sflag:s25], $0x1900  }
0x2b: {  	[sflag:s25] =	ssyncset.done $0x0  }
0x2c: {  	s14 =	simm.s32 $0x10;
	[sflag:s25] =	ssyncadd.s32 $0xFFFFE700  }
0x2d: {  	_ =	swait.ge [sflag:s14], $0x1900  }
0x2e: {  	s19 =	rddreg [dreg:$0xd]  }
0x2f: {  	s31 =	rddreg [dreg:$0xc];
	s19 =	sadd.s32 $0x1, s19  }
0x30: {  	p0 =	sne.s32 s19, s31  }
.Ltmp1:
0x31: {  	_ = 	snop;
	(pc) =	sbr.rel @!p0 .LBB2_21-.Ltmp1, $3  }
0x32: {  	_ =	sdelay $0x1  }
0x33: {  	[sflag:s14] =	ssyncset.done $0x0  }
0x34: {  	[sflag:s14] =	ssyncadd.s32 $0xFFFFE700  }
.LBB2_1:
0x35: {  	[dreg:$0xd] =	wrdreg s19  }
0x36: {  	s0 =	rddreg [dreg:$0x4];
	s14 =	simm.s32 $0x80  }
0x37: {  	[tilespmem:s14], [sflag:$0x1] =	stream.linear.gather [hbm4b:s0+s4], $0x1900, $0x38;
	[tilespmem:$0x19080] =	vst v63  }
0x38: {  	s19 =	simm.s32 $0x1980;
	s14 =	rddreg [dreg:$0x5]  }
0x39: {  	[tilespmem:s19], [sflag:$0x2] =	stream.linear.gather [hbm4b:s14+s4], $0x1900, $0x38;
	[tilespmem:$0x19080] =	vst v63  }
0x3a: {  	s25 =	rddreg [dreg:$0x6];
	s31 =	simm.s32 $0x3280  }
0x3b: {  	[tilespmem:s31], [sflag:$0x3] =	stream.linear.gather [hbm4b:s25+s4], $0x1900, $0x38;
	[tilespmem:$0x19080] =	vst v63  }
0x3c: {  	s14 =	rddreg [dreg:$0x7];
	s19 =	simm.s32 $0x4B80  }
0x3d: {  	[tilespmem:s19], [sflag:$0x4] =	stream.linear.gather [hbm4b:s14+s4], $0x1900, $0x38;
	[tilespmem:$0x19080] =	vst v63  }
0x3e: {  	s25 =	rddreg [dreg:$0x8];
	s31 =	simm.s32 $0x6480  }
0x3f: {  	[tilespmem:s31], [sflag:$0x5] =	stream.linear.gather [hbm4b:s25+s4], $0x1900, $0x38;
	[tilespmem:$0x19080] =	vst v63  }
0x40: {  	s14 =	rddreg [dreg:$0x9];
	s19 =	simm.s32 $0x7D80  }
0x41: {  	[tilespmem:s19], [sflag:$0x6] =	stream.linear.gather [hbm4b:s14+s4], $0x1900, $0x38;
	[tilespmem:$0x19080] =	vst v63  }
0x42: {  	s25 =	rddreg [dreg:$0xa];
	s31 =	simm.s32 $0x9680  }
0x43: {  	[tilespmem:s31], [sflag:$0x7] =	stream.linear.gather [hbm4b:s25+s4], $0x1900, $0x38;
	[tilespmem:$0x19080] =	vst v63  }
0x44: {  	s14 =	rddreg [dreg:$0xb];
	s19 =	simm.s32 $0xAF80  }
0x45: {  	[tilespmem:s19], [sflag:$0x8] =	stream.linear.gather [hbm4b:s14+s4], $0x1900, $0x38;
	[tilespmem:$0x19080] =	vst v63  }
0x46: {  	s25 =	rddreg [dreg:$0x1];
	s31 =	simm.s32 $0x11  }
0x47: {  	[tilespmem:s4], [sflag:$0x11] =	stream.linear.gather [hbm4b:s25+s4], $0x8, $0x38;
	[tilespmem:$0x19080] =	vst v63  }
0x48: {  	_ =	swait.ge [sflag:s31], $0x8  }
0x49: {  	[sflag:s31] =	ssyncset.done $0x0  }
0x4a: {  	p0 =	por $0x0, $0x0;
	s19 =	simm.s32 $0x0;
	[sflag:s31] =	ssyncadd.s32 $0xFFFFFFF8  }
.LBB2_2:
0x4b: {  	_ =	swait.ge [sflag:s1], $0x1900  }
0x4c: {  	[sflag:s1] =	ssyncset.done $0x0  }
0x4d: {  	s0 =	simm.s32 @p0 $0x9;
	[sflag:s1] =	ssyncadd.s32 $0xFFFFE700  }
0x4e: {  	_ =	swait.ge @p0 [sflag:s0], $0x1900  }
0x4f: {  	[sflag:s0] =	ssyncset.done @p0 $0x0  }
0x50: {  	s25 =	simm.s32 $0x100;
	[sflag:s0] =	ssyncadd.s32 @p0 $0xFFFFE700  }
0x51: {  	v0 =	vld [tilespmem:s25+$0x70]  }
0x52: {  	v1 =	vld [tilespmem:s25+$0xFFFFFF90]  }
0x53: {  	v2 =	vld [tilespmem:s25+$0xFFFFFFA0]  }
0x54: {  	v3 =	vld [tilespmem:s25+$0xFFFFFFB0]  }
0x55: {  	v4 =	vld [tilespmem:s25+$0xFFFFFFC0]  }
0x56: {  	v5 =	vld [tilespmem:s25+$0xFFFFFFD0]  }
0x57: {  	v6 =	vld [tilespmem:s25+$0xFFFFFFE0]  }
0x58: {  	v7 =	vld [tilespmem:s25+$0xFFFFFFF0]  }
0x59: {  	v8 =	vld [tilespmem:s25+$0x0]  }
0x5a: {  	v9 =	vld [tilespmem:s25+$0x10]  }
0x5b: {  	v10 =	vld [tilespmem:s25+$0x20]  }
0x5c: {  	v11 =	vld [tilespmem:s25+$0x30]  }
0x5d: {  	v12 =	vld [tilespmem:s25+$0x40]  }
0x5e: {  	v13 =	vld [tilespmem:s25+$0x50]  }
0x5f: {  	v14 =	vld [tilespmem:s25+$0x60]  }
0x60: {  	v15 =	vld [tilespmem:s25+$0xFFFFFF80]  }
0x61: {  	v0 =	vld.idx.msk [tilespmem:v0+s4+$0x0], $0xffff  }
0x62: {  	v1 =	vld.idx.msk [tilespmem:v1+s4+$0x0], $0xffff  }
0x63: {  	v2 =	vld.idx.msk [tilespmem:v2+s4+$0x0], $0xffff  }
0x64: {  	v3 =	vld.idx.msk [tilespmem:v3+s4+$0x0], $0xffff  }
0x65: {  	v4 =	vld.idx.msk [tilespmem:v4+s4+$0x0], $0xffff  }
0x66: {  	s25 =	simm.s32 $0xC900;
	v5 =	vld.idx.msk [tilespmem:v5+s4+$0x0], $0xffff  }
0x67: {  	v6 =	vld.idx.msk [tilespmem:v6+s4+$0x0], $0xffff;
	[tilespmem:s25+$0x70] =	vst v0  }
0x68: {  	v7 =	vld.idx.msk [tilespmem:v7+s4+$0x0], $0xffff;
	[tilespmem:s25+$0xFFFFFF90] =	vst v1  }
0x69: {  	v15 =	vld.idx.msk [tilespmem:v15+s4+$0x0], $0xffff;
	[tilespmem:s25+$0xFFFFFFA0] =	vst v2  }
0x6a: {  	v8 =	vld.idx.msk [tilespmem:v8+s4+$0x0], $0xffff;
	[tilespmem:s25+$0xFFFFFFB0] =	vst v3  }
0x6b: {  	[tilespmem:s25+$0xFFFFFFC0] =	vst v4;
	v0 =	vld.idx.msk [tilespmem:v9+s4+$0x0], $0xffff  }
0x6c: {  	[tilespmem:s25+$0xFFFFFFD0] =	vst v5;
	v1 =	vld.idx.msk [tilespmem:v10+s4+$0x0], $0xffff  }
0x6d: {  	[tilespmem:s25+$0xFFFFFFE0] =	vst v6;
	v2 =	vld.idx.msk [tilespmem:v11+s4+$0x0], $0xffff  }
0x6e: {  	[tilespmem:s25+$0xFFFFFFF0] =	vst v7;
	v3 =	vld.idx.msk [tilespmem:v12+s4+$0x0], $0xffff  }
0x6f: {  	[tilespmem:s25+$0xFFFFFF80] =	vst v15;
	v4 =	vld.idx.msk [tilespmem:v13+s4+$0x0], $0xffff  }
0x70: {  	s31 =	sadd.s32 s5, s19;
	s14 =	simm.s32 $0x200;
	s0 =	simm.s32 $0x0;
	[tilespmem:s25+$0x0] =	vst v8;
	v5 =	vld.idx.msk [tilespmem:v14+s4+$0x0], $0xffff  }
.LBB2_3:
0x71: {  	v6 =	vld [tilespmem:s14+$0x70];
	s0 =	sadd.s32 $0x10, s0;
	[tilespmem:s25+$0x10] =	vst v0  }
0x72: {  	v0 =	vld [tilespmem:s14+$0xFFFFFF90];
	p1 =	slt.u32 s0, $0x180;
	[tilespmem:s25+$0x20] =	vst v1  }
0x73: {  	v1 =	vld [tilespmem:s14+$0xFFFFFFA0];
	[tilespmem:s25+$0x30] =	vst v2  }
0x74: {  	v2 =	vld [tilespmem:s14+$0xFFFFFFB0];
	[tilespmem:s25+$0x40] =	vst v3  }
0x75: {  	v3 =	vld [tilespmem:s14+$0xFFFFFFC0];
	[tilespmem:s25+$0x50] =	vst v4  }
0x76: {  	v4 =	vld [tilespmem:s14+$0xFFFFFFD0];
	[tilespmem:s25+$0x60] =	vst v5  }
0x77: {  	v5 =	vld [tilespmem:s14+$0xFFFFFFE0]  }
0x78: {  	v7 =	vld [tilespmem:s14+$0xFFFFFFF0]  }
0x79: {  	v6 =	vld.idx.msk [tilespmem:v6+s4+$0x0], $0xffff  }
0x7a: {  	v8 =	vld [tilespmem:s14+$0x0]  }
0x7b: {  	v9 =	vld [tilespmem:s14+$0x10]  }
0x7c: {  	v10 =	vld [tilespmem:s14+$0x20]  }
0x7d: {  	v11 =	vld [tilespmem:s14+$0x30]  }
0x7e: {  	s25 =	sadd.s32 $0x100, s25;
	v12 =	vld [tilespmem:s14+$0x40]  }
0x7f: {  	v13 =	vld [tilespmem:s14+$0x50];
	[tilespmem:s25+$0x70] =	vst v6  }
0x80: {  	v6 =	vld [tilespmem:s14+$0x60]  }
0x81: {  	v14 =	vld [tilespmem:s14+$0xFFFFFF80]  }
0x82: {  	v0 =	vld.idx.msk [tilespmem:v0+s4+$0x0], $0xffff  }
0x83: {  	v1 =	vld.idx.msk [tilespmem:v1+s4+$0x0], $0xffff  }
0x84: {  	v2 =	vld.idx.msk [tilespmem:v2+s4+$0x0], $0xffff  }
0x85: {  	v3 =	vld.idx.msk [tilespmem:v3+s4+$0x0], $0xffff  }
0x86: {  	v4 =	vld.idx.msk [tilespmem:v4+s4+$0x0], $0xffff  }
0x87: {  	v5 =	vld.idx.msk [tilespmem:v5+s4+$0x0], $0xffff  }
0x88: {  	[tilespmem:s25+$0xFFFFFF90] =	vst v0;
	v7 =	vld.idx.msk [tilespmem:v7+s4+$0x0], $0xffff  }
0x89: {  	v14 =	vld.idx.msk [tilespmem:v14+s4+$0x0], $0xffff;
	[tilespmem:s25+$0xFFFFFFA0] =	vst v1  }
0x8a: {  	[tilespmem:s25+$0xFFFFFFB0] =	vst v2;
	v8 =	vld.idx.msk [tilespmem:v8+s4+$0x0], $0xffff  }
0x8b: {  	[tilespmem:s25+$0xFFFFFFC0] =	vst v3;
	v0 =	vld.idx.msk [tilespmem:v9+s4+$0x0], $0xffff  }
.Ltmp2:
0x8c: {  	[tilespmem:s25+$0xFFFFFFD0] =	vst v4;
	v1 =	vld.idx.msk [tilespmem:v10+s4+$0x0], $0xffff;
	(pc) =	sbr.rel @p1 .LBB2_3-.Ltmp2, $4  }
0x8d: {  	[tilespmem:s25+$0xFFFFFFE0] =	vst v5;
	v2 =	vld.idx.msk [tilespmem:v11+s4+$0x0], $0xffff  }
0x8e: {  	[tilespmem:s25+$0xFFFFFFF0] =	vst v7;
	v3 =	vld.idx.msk [tilespmem:v12+s4+$0x0], $0xffff  }
0x8f: {  	[tilespmem:s25+$0xFFFFFF80] =	vst v14;
	v4 =	vld.idx.msk [tilespmem:v13+s4+$0x0], $0xffff  }
0x90: {  	s14 =	sadd.s32 $0x100, s14;
	[tilespmem:s25+$0x0] =	vst v8;
	v5 =	vld.idx.msk [tilespmem:v6+s4+$0x0], $0xffff  }
0x91: {  	[tilespmem:s25+$0x10] =	vst v0  }
0x92: {  	[tilespmem:s25+$0x20] =	vst v1  }
0x93: {  	[tilespmem:s25+$0x30] =	vst v2  }
0x94: {  	[tilespmem:s25+$0x40] =	vst v3  }
0x95: {  	s0 =	sshrl.u32 s31, $0x3;
	[tilespmem:s25+$0x50] =	vst v4  }
0x96: {  	s14 =	simm.s32 $0xC880;
	s0 =	sadd.s32 s3, s0;
	[tilespmem:s25+$0x60] =	vst v5  }
0x97: {  	[hbm4b:s0+s4] =	stream.linear.scatter [tilespmem:s14], [sflag:$0x9], $0x1900, $0x38;
	[tilespmem:$0x19080] =	vst v63  }
0x98: {  	s0 =	simm.s32 @!p0 $0x0;
	s14 =	simm.s32 @!p0 $0x80  }
0x99: {  	[tilespmem:s14], [sflag:$0x1] =	stream.linear.gather @!p0 [hbm4b:s21+s0], $0x1900, $0x38;
	[tilespmem:$0x19080] =	vst v63  }
0x9a: {  	_ =	swait.ge [sflag:s8], $0x1900  }
0x9b: {  	[sflag:s8] =	ssyncset.done $0x0  }
0x9c: {  	s0 =	simm.s32 @p0 $0xA;
	[sflag:s8] =	ssyncadd.s32 $0xFFFFE700  }
0x9d: {  	_ =	swait.ge @p0 [sflag:s0], $0x1900  }
0x9e: {  	[sflag:s0] =	ssyncset.done @p0 $0x0  }
0x9f: {  	s25 =	simm.s32 $0x1A00;
	[sflag:s0] =	ssyncadd.s32 @p0 $0xFFFFE700  }
0xa0: {  	v0 =	vld [tilespmem:s25+$0x70]  }
0xa1: {  	v1 =	vld [tilespmem:s25+$0xFFFFFF90]  }
0xa2: {  	v2 =	vld [tilespmem:s25+$0xFFFFFFA0]  }
0xa3: {  	v3 =	vld [tilespmem:s25+$0xFFFFFFB0]  }
0xa4: {  	v4 =	vld [tilespmem:s25+$0xFFFFFFC0]  }
0xa5: {  	v5 =	vld [tilespmem:s25+$0xFFFFFFD0]  }
0xa6: {  	v6 =	vld [tilespmem:s25+$0xFFFFFFE0]  }
0xa7: {  	v7 =	vld [tilespmem:s25+$0xFFFFFFF0]  }
0xa8: {  	v8 =	vld [tilespmem:s25+$0x0]  }
0xa9: {  	v9 =	vld [tilespmem:s25+$0x10]  }
0xaa: {  	v10 =	vld [tilespmem:s25+$0x20]  }
0xab: {  	v11 =	vld [tilespmem:s25+$0x30]  }
0xac: {  	v12 =	vld [tilespmem:s25+$0x40]  }
0xad: {  	v13 =	vld [tilespmem:s25+$0x50]  }
0xae: {  	v14 =	vld [tilespmem:s25+$0x60]  }
0xaf: {  	v15 =	vld [tilespmem:s25+$0xFFFFFF80]  }
0xb0: {  	v0 =	vld.idx.msk [tilespmem:v0+s4+$0x0], $0xffff  }
0xb1: {  	v1 =	vld.idx.msk [tilespmem:v1+s4+$0x0], $0xffff  }
0xb2: {  	v2 =	vld.idx.msk [tilespmem:v2+s4+$0x0], $0xffff  }
0xb3: {  	v3 =	vld.idx.msk [tilespmem:v3+s4+$0x0], $0xffff  }
0xb4: {  	v4 =	vld.idx.msk [tilespmem:v4+s4+$0x0], $0xffff  }
0xb5: {  	s25 =	simm.s32 $0xE200;
	v5 =	vld.idx.msk [tilespmem:v5+s4+$0x0], $0xffff  }
0xb6: {  	v6 =	vld.idx.msk [tilespmem:v6+s4+$0x0], $0xffff;
	[tilespmem:s25+$0x70] =	vst v0  }
0xb7: {  	v7 =	vld.idx.msk [tilespmem:v7+s4+$0x0], $0xffff;
	[tilespmem:s25+$0xFFFFFF90] =	vst v1  }
0xb8: {  	v15 =	vld.idx.msk [tilespmem:v15+s4+$0x0], $0xffff;
	[tilespmem:s25+$0xFFFFFFA0] =	vst v2  }
0xb9: {  	v8 =	vld.idx.msk [tilespmem:v8+s4+$0x0], $0xffff;
	[tilespmem:s25+$0xFFFFFFB0] =	vst v3  }
0xba: {  	[tilespmem:s25+$0xFFFFFFC0] =	vst v4;
	v0 =	vld.idx.msk [tilespmem:v9+s4+$0x0], $0xffff  }
0xbb: {  	[tilespmem:s25+$0xFFFFFFD0] =	vst v5;
	v1 =	vld.idx.msk [tilespmem:v10+s4+$0x0], $0xffff  }
0xbc: {  	[tilespmem:s25+$0xFFFFFFE0] =	vst v6;
	v2 =	vld.idx.msk [tilespmem:v11+s4+$0x0], $0xffff  }
0xbd: {  	[tilespmem:s25+$0xFFFFFFF0] =	vst v7;
	v3 =	vld.idx.msk [tilespmem:v12+s4+$0x0], $0xffff  }
0xbe: {  	[tilespmem:s25+$0xFFFFFF80] =	vst v15;
	v4 =	vld.idx.msk [tilespmem:v13+s4+$0x0], $0xffff  }
0xbf: {  	s31 =	sadd.s32 s19, s6;
	s14 =	simm.s32 $0x1B00;
	s0 =	simm.s32 $0x0;
	[tilespmem:s25+$0x0] =	vst v8;
	v5 =	vld.idx.msk [tilespmem:v14+s4+$0x0], $0xffff  }
.LBB2_5:
0xc0: {  	v6 =	vld [tilespmem:s14+$0x70];
	s0 =	sadd.s32 $0x10, s0;
	[tilespmem:s25+$0x10] =	vst v0  }
0xc1: {  	v0 =	vld [tilespmem:s14+$0xFFFFFF90];
	p1 =	slt.u32 s0, $0x180;
	[tilespmem:s25+$0x20] =	vst v1  }
0xc2: {  	v1 =	vld [tilespmem:s14+$0xFFFFFFA0];
	[tilespmem:s25+$0x30] =	vst v2  }
0xc3: {  	v2 =	vld [tilespmem:s14+$0xFFFFFFB0];
	[tilespmem:s25+$0x40] =	vst v3  }
0xc4: {  	v3 =	vld [tilespmem:s14+$0xFFFFFFC0];
	[tilespmem:s25+$0x50] =	vst v4  }
0xc5: {  	v4 =	vld [tilespmem:s14+$0xFFFFFFD0];
	[tilespmem:s25+$0x60] =	vst v5  }
0xc6: {  	v5 =	vld [tilespmem:s14+$0xFFFFFFE0]  }
0xc7: {  	v7 =	vld [tilespmem:s14+$0xFFFFFFF0]  }
0xc8: {  	v6 =	vld.idx.msk [tilespmem:v6+s4+$0x0], $0xffff  }
0xc9: {  	v8 =	vld [tilespmem:s14+$0x0]  }
0xca: {  	v9 =	vld [tilespmem:s14+$0x10]  }
0xcb: {  	v10 =	vld [tilespmem:s14+$0x20]  }
0xcc: {  	v11 =	vld [tilespmem:s14+$0x30]  }
0xcd: {  	s25 =	sadd.s32 $0x100, s25;
	v12 =	vld [tilespmem:s14+$0x40]  }
0xce: {  	v13 =	vld [tilespmem:s14+$0x50];
	[tilespmem:s25+$0x70] =	vst v6  }
0xcf: {  	v6 =	vld [tilespmem:s14+$0x60]  }
0xd0: {  	v14 =	vld [tilespmem:s14+$0xFFFFFF80]  }
0xd1: {  	v0 =	vld.idx.msk [tilespmem:v0+s4+$0x0], $0xffff  }
0xd2: {  	v1 =	vld.idx.msk [tilespmem:v1+s4+$0x0], $0xffff  }
0xd3: {  	v2 =	vld.idx.msk [tilespmem:v2+s4+$0x0], $0xffff  }
0xd4: {  	v3 =	vld.idx.msk [tilespmem:v3+s4+$0x0], $0xffff  }
0xd5: {  	v4 =	vld.idx.msk [tilespmem:v4+s4+$0x0], $0xffff  }
0xd6: {  	v5 =	vld.idx.msk [tilespmem:v5+s4+$0x0], $0xffff  }
0xd7: {  	[tilespmem:s25+$0xFFFFFF90] =	vst v0;
	v7 =	vld.idx.msk [tilespmem:v7+s4+$0x0], $0xffff  }
0xd8: {  	v14 =	vld.idx.msk [tilespmem:v14+s4+$0x0], $0xffff;
	[tilespmem:s25+$0xFFFFFFA0] =	vst v1  }
0xd9: {  	[tilespmem:s25+$0xFFFFFFB0] =	vst v2;
	v8 =	vld.idx.msk [tilespmem:v8+s4+$0x0], $0xffff  }
0xda: {  	[tilespmem:s25+$0xFFFFFFC0] =	vst v3;
	v0 =	vld.idx.msk [tilespmem:v9+s4+$0x0], $0xffff  }
.Ltmp3:
0xdb: {  	[tilespmem:s25+$0xFFFFFFD0] =	vst v4;
	v1 =	vld.idx.msk [tilespmem:v10+s4+$0x0], $0xffff;
	(pc) =	sbr.rel @p1 .LBB2_5-.Ltmp3, $4  }
0xdc: {  	[tilespmem:s25+$0xFFFFFFE0] =	vst v5;
	v2 =	vld.idx.msk [tilespmem:v11+s4+$0x0], $0xffff  }
0xdd: {  	[tilespmem:s25+$0xFFFFFFF0] =	vst v7;
	v3 =	vld.idx.msk [tilespmem:v12+s4+$0x0], $0xffff  }
0xde: {  	[tilespmem:s25+$0xFFFFFF80] =	vst v14;
	v4 =	vld.idx.msk [tilespmem:v13+s4+$0x0], $0xffff  }
0xdf: {  	s14 =	sadd.s32 $0x100, s14;
	[tilespmem:s25+$0x0] =	vst v8;
	v5 =	vld.idx.msk [tilespmem:v6+s4+$0x0], $0xffff  }
0xe0: {  	[tilespmem:s25+$0x10] =	vst v0  }
0xe1: {  	[tilespmem:s25+$0x20] =	vst v1  }
0xe2: {  	[tilespmem:s25+$0x30] =	vst v2  }
0xe3: {  	[tilespmem:s25+$0x40] =	vst v3  }
0xe4: {  	s0 =	sshrl.u32 s31, $0x3;
	[tilespmem:s25+$0x50] =	vst v4  }
0xe5: {  	s14 =	simm.s32 $0xE180;
	s0 =	sadd.s32 s3, s0;
	[tilespmem:s25+$0x60] =	vst v5  }
0xe6: {  	[hbm4b:s0+s4] =	stream.linear.scatter [tilespmem:s14], [sflag:$0xA], $0x1900, $0x38;
	[tilespmem:$0x19080] =	vst v63  }
0xe7: {  	s0 =	simm.s32 @!p0 $0x0;
	s14 =	simm.s32 @!p0 $0x1980  }
0xe8: {  	[tilespmem:s14], [sflag:$0x2] =	stream.linear.gather @!p0 [hbm4b:s22+s0], $0x1900, $0x38;
	[tilespmem:$0x19080] =	vst v63  }
0xe9: {  	_ =	swait.ge [sflag:s13], $0x1900  }
0xea: {  	[sflag:s13] =	ssyncset.done $0x0  }
0xeb: {  	s0 =	simm.s32 @p0 $0xB;
	[sflag:s13] =	ssyncadd.s32 $0xFFFFE700  }
0xec: {  	_ =	swait.ge @p0 [sflag:s0], $0x1900  }
0xed: {  	[sflag:s0] =	ssyncset.done @p0 $0x0  }
0xee: {  	s25 =	simm.s32 $0x3300;
	[sflag:s0] =	ssyncadd.s32 @p0 $0xFFFFE700  }
0xef: {  	v0 =	vld [tilespmem:s25+$0x70]  }
0xf0: {  	v1 =	vld [tilespmem:s25+$0xFFFFFF90]  }
0xf1: {  	v2 =	vld [tilespmem:s25+$0xFFFFFFA0]  }
0xf2: {  	v3 =	vld [tilespmem:s25+$0xFFFFFFB0]  }
0xf3: {  	v4 =	vld [tilespmem:s25+$0xFFFFFFC0]  }
0xf4: {  	v5 =	vld [tilespmem:s25+$0xFFFFFFD0]  }
0xf5: {  	v6 =	vld [tilespmem:s25+$0xFFFFFFE0]  }
0xf6: {  	v7 =	vld [tilespmem:s25+$0xFFFFFFF0]  }
0xf7: {  	v8 =	vld [tilespmem:s25+$0x0]  }
0xf8: {  	v9 =	vld [tilespmem:s25+$0x10]  }
0xf9: {  	v10 =	vld [tilespmem:s25+$0x20]  }
0xfa: {  	v11 =	vld [tilespmem:s25+$0x30]  }
0xfb: {  	v12 =	vld [tilespmem:s25+$0x40]  }
0xfc: {  	v13 =	vld [tilespmem:s25+$0x50]  }
0xfd: {  	v14 =	vld [tilespmem:s25+$0x60]  }
0xfe: {  	v15 =	vld [tilespmem:s25+$0xFFFFFF80]  }
0xff: {  	v0 =	vld.idx.msk [tilespmem:v0+s4+$0x0], $0xffff  }
0x100: {  	v1 =	vld.idx.msk [tilespmem:v1+s4+$0x0], $0xffff  }
0x101: {  	v2 =	vld.idx.msk [tilespmem:v2+s4+$0x0], $0xffff  }
0x102: {  	v3 =	vld.idx.msk [tilespmem:v3+s4+$0x0], $0xffff  }
0x103: {  	v4 =	vld.idx.msk [tilespmem:v4+s4+$0x0], $0xffff  }
0x104: {  	s25 =	simm.s32 $0xFB00;
	v5 =	vld.idx.msk [tilespmem:v5+s4+$0x0], $0xffff  }
0x105: {  	v6 =	vld.idx.msk [tilespmem:v6+s4+$0x0], $0xffff;
	[tilespmem:s25+$0x70] =	vst v0  }
0x106: {  	v7 =	vld.idx.msk [tilespmem:v7+s4+$0x0], $0xffff;
	[tilespmem:s25+$0xFFFFFF90] =	vst v1  }
0x107: {  	v15 =	vld.idx.msk [tilespmem:v15+s4+$0x0], $0xffff;
	[tilespmem:s25+$0xFFFFFFA0] =	vst v2  }
0x108: {  	v8 =	vld.idx.msk [tilespmem:v8+s4+$0x0], $0xffff;
	[tilespmem:s25+$0xFFFFFFB0] =	vst v3  }
0x109: {  	[tilespmem:s25+$0xFFFFFFC0] =	vst v4;
	v0 =	vld.idx.msk [tilespmem:v9+s4+$0x0], $0xffff  }
0x10a: {  	[tilespmem:s25+$0xFFFFFFD0] =	vst v5;
	v1 =	vld.idx.msk [tilespmem:v10+s4+$0x0], $0xffff  }
0x10b: {  	[tilespmem:s25+$0xFFFFFFE0] =	vst v6;
	v2 =	vld.idx.msk [tilespmem:v11+s4+$0x0], $0xffff  }
0x10c: {  	[tilespmem:s25+$0xFFFFFFF0] =	vst v7;
	v3 =	vld.idx.msk [tilespmem:v12+s4+$0x0], $0xffff  }
0x10d: {  	[tilespmem:s25+$0xFFFFFF80] =	vst v15;
	v4 =	vld.idx.msk [tilespmem:v13+s4+$0x0], $0xffff  }
0x10e: {  	s31 =	sadd.s32 s19, s9;
	s14 =	simm.s32 $0x3400;
	s0 =	simm.s32 $0x0;
	[tilespmem:s25+$0x0] =	vst v8;
	v5 =	vld.idx.msk [tilespmem:v14+s4+$0x0], $0xffff  }
.LBB2_7:
0x10f: {  	v6 =	vld [tilespmem:s14+$0x70];
	s0 =	sadd.s32 $0x10, s0;
	[tilespmem:s25+$0x10] =	vst v0  }
0x110: {  	v0 =	vld [tilespmem:s14+$0xFFFFFF90];
	p1 =	slt.u32 s0, $0x180;
	[tilespmem:s25+$0x20] =	vst v1  }
0x111: {  	v1 =	vld [tilespmem:s14+$0xFFFFFFA0];
	[tilespmem:s25+$0x30] =	vst v2  }
0x112: {  	v2 =	vld [tilespmem:s14+$0xFFFFFFB0];
	[tilespmem:s25+$0x40] =	vst v3  }
0x113: {  	v3 =	vld [tilespmem:s14+$0xFFFFFFC0];
	[tilespmem:s25+$0x50] =	vst v4  }
0x114: {  	v4 =	vld [tilespmem:s14+$0xFFFFFFD0];
	[tilespmem:s25+$0x60] =	vst v5  }
0x115: {  	v5 =	vld [tilespmem:s14+$0xFFFFFFE0]  }
0x116: {  	v7 =	vld [tilespmem:s14+$0xFFFFFFF0]  }
0x117: {  	v6 =	vld.idx.msk [tilespmem:v6+s4+$0x0], $0xffff  }
0x118: {  	v8 =	vld [tilespmem:s14+$0x0]  }
0x119: {  	v9 =	vld [tilespmem:s14+$0x10]  }
0x11a: {  	v10 =	vld [tilespmem:s14+$0x20]  }
0x11b: {  	v11 =	vld [tilespmem:s14+$0x30]  }
0x11c: {  	s25 =	sadd.s32 $0x100, s25;
	v12 =	vld [tilespmem:s14+$0x40]  }
0x11d: {  	v13 =	vld [tilespmem:s14+$0x50];
	[tilespmem:s25+$0x70] =	vst v6  }
0x11e: {  	v6 =	vld [tilespmem:s14+$0x60]  }
0x11f: {  	v14 =	vld [tilespmem:s14+$0xFFFFFF80]  }
0x120: {  	v0 =	vld.idx.msk [tilespmem:v0+s4+$0x0], $0xffff  }
0x121: {  	v1 =	vld.idx.msk [tilespmem:v1+s4+$0x0], $0xffff  }
0x122: {  	v2 =	vld.idx.msk [tilespmem:v2+s4+$0x0], $0xffff  }
0x123: {  	v3 =	vld.idx.msk [tilespmem:v3+s4+$0x0], $0xffff  }
0x124: {  	v4 =	vld.idx.msk [tilespmem:v4+s4+$0x0], $0xffff  }
0x125: {  	v5 =	vld.idx.msk [tilespmem:v5+s4+$0x0], $0xffff  }
0x126: {  	[tilespmem:s25+$0xFFFFFF90] =	vst v0;
	v7 =	vld.idx.msk [tilespmem:v7+s4+$0x0], $0xffff  }
0x127: {  	v14 =	vld.idx.msk [tilespmem:v14+s4+$0x0], $0xffff;
	[tilespmem:s25+$0xFFFFFFA0] =	vst v1  }
0x128: {  	[tilespmem:s25+$0xFFFFFFB0] =	vst v2;
	v8 =	vld.idx.msk [tilespmem:v8+s4+$0x0], $0xffff  }
0x129: {  	[tilespmem:s25+$0xFFFFFFC0] =	vst v3;
	v0 =	vld.idx.msk [tilespmem:v9+s4+$0x0], $0xffff  }
.Ltmp4:
0x12a: {  	[tilespmem:s25+$0xFFFFFFD0] =	vst v4;
	v1 =	vld.idx.msk [tilespmem:v10+s4+$0x0], $0xffff;
	(pc) =	sbr.rel @p1 .LBB2_7-.Ltmp4, $4  }
0x12b: {  	[tilespmem:s25+$0xFFFFFFE0] =	vst v5;
	v2 =	vld.idx.msk [tilespmem:v11+s4+$0x0], $0xffff  }
0x12c: {  	[tilespmem:s25+$0xFFFFFFF0] =	vst v7;
	v3 =	vld.idx.msk [tilespmem:v12+s4+$0x0], $0xffff  }
0x12d: {  	[tilespmem:s25+$0xFFFFFF80] =	vst v14;
	v4 =	vld.idx.msk [tilespmem:v13+s4+$0x0], $0xffff  }
0x12e: {  	s14 =	sadd.s32 $0x100, s14;
	[tilespmem:s25+$0x0] =	vst v8;
	v5 =	vld.idx.msk [tilespmem:v6+s4+$0x0], $0xffff  }
0x12f: {  	[tilespmem:s25+$0x10] =	vst v0  }
0x130: {  	[tilespmem:s25+$0x20] =	vst v1  }
0x131: {  	[tilespmem:s25+$0x30] =	vst v2  }
0x132: {  	[tilespmem:s25+$0x40] =	vst v3  }
0x133: {  	s0 =	sshrl.u32 s31, $0x3;
	[tilespmem:s25+$0x50] =	vst v4  }
0x134: {  	s14 =	simm.s32 $0xFA80;
	s0 =	sadd.s32 s3, s0;
	[tilespmem:s25+$0x60] =	vst v5  }
0x135: {  	[hbm4b:s0+s4] =	stream.linear.scatter [tilespmem:s14], [sflag:$0xB], $0x1900, $0x38;
	[tilespmem:$0x19080] =	vst v63  }
0x136: {  	s0 =	simm.s32 @!p0 $0x0;
	s14 =	simm.s32 @!p0 $0x3280  }
0x137: {  	[tilespmem:s14], [sflag:$0x3] =	stream.linear.gather @!p0 [hbm4b:s23+s0], $0x1900, $0x38;
	[tilespmem:$0x19080] =	vst v63  }
0x138: {  	_ =	swait.ge [sflag:s18], $0x1900  }
0x139: {  	[sflag:s18] =	ssyncset.done $0x0  }
0x13a: {  	s0 =	simm.s32 @p0 $0xC;
	[sflag:s18] =	ssyncadd.s32 $0xFFFFE700  }
0x13b: {  	_ =	swait.ge @p0 [sflag:s0], $0x1900  }
0x13c: {  	[sflag:s0] =	ssyncset.done @p0 $0x0  }
0x13d: {  	s25 =	simm.s32 $0x4C00;
	[sflag:s0] =	ssyncadd.s32 @p0 $0xFFFFE700  }
0x13e: {  	v0 =	vld [tilespmem:s25+$0x70]  }
0x13f: {  	v1 =	vld [tilespmem:s25+$0xFFFFFF90]  }
0x140: {  	v2 =	vld [tilespmem:s25+$0xFFFFFFA0]  }
0x141: {  	v3 =	vld [tilespmem:s25+$0xFFFFFFB0]  }
0x142: {  	v4 =	vld [tilespmem:s25+$0xFFFFFFC0]  }
0x143: {  	v5 =	vld [tilespmem:s25+$0xFFFFFFD0]  }
0x144: {  	v6 =	vld [tilespmem:s25+$0xFFFFFFE0]  }
0x145: {  	v7 =	vld [tilespmem:s25+$0xFFFFFFF0]  }
0x146: {  	v8 =	vld [tilespmem:s25+$0x0]  }
0x147: {  	v9 =	vld [tilespmem:s25+$0x10]  }
0x148: {  	v10 =	vld [tilespmem:s25+$0x20]  }
0x149: {  	v11 =	vld [tilespmem:s25+$0x30]  }
0x14a: {  	v12 =	vld [tilespmem:s25+$0x40]  }
0x14b: {  	v13 =	vld [tilespmem:s25+$0x50]  }
0x14c: {  	v14 =	vld [tilespmem:s25+$0x60]  }
0x14d: {  	v15 =	vld [tilespmem:s25+$0xFFFFFF80]  }
0x14e: {  	v0 =	vld.idx.msk [tilespmem:v0+s4+$0x0], $0xffff  }
0x14f: {  	v1 =	vld.idx.msk [tilespmem:v1+s4+$0x0], $0xffff  }
0x150: {  	v2 =	vld.idx.msk [tilespmem:v2+s4+$0x0], $0xffff  }
0x151: {  	v3 =	vld.idx.msk [tilespmem:v3+s4+$0x0], $0xffff  }
0x152: {  	v4 =	vld.idx.msk [tilespmem:v4+s4+$0x0], $0xffff  }
0x153: {  	s25 =	simm.s32 $0x11400;
	v5 =	vld.idx.msk [tilespmem:v5+s4+$0x0], $0xffff  }
0x154: {  	v6 =	vld.idx.msk [tilespmem:v6+s4+$0x0], $0xffff;
	[tilespmem:s25+$0x70] =	vst v0  }
0x155: {  	v7 =	vld.idx.msk [tilespmem:v7+s4+$0x0], $0xffff;
	[tilespmem:s25+$0xFFFFFF90] =	vst v1  }
0x156: {  	v15 =	vld.idx.msk [tilespmem:v15+s4+$0x0], $0xffff;
	[tilespmem:s25+$0xFFFFFFA0] =	vst v2  }
0x157: {  	v8 =	vld.idx.msk [tilespmem:v8+s4+$0x0], $0xffff;
	[tilespmem:s25+$0xFFFFFFB0] =	vst v3  }
0x158: {  	[tilespmem:s25+$0xFFFFFFC0] =	vst v4;
	v0 =	vld.idx.msk [tilespmem:v9+s4+$0x0], $0xffff  }
0x159: {  	[tilespmem:s25+$0xFFFFFFD0] =	vst v5;
	v1 =	vld.idx.msk [tilespmem:v10+s4+$0x0], $0xffff  }
0x15a: {  	[tilespmem:s25+$0xFFFFFFE0] =	vst v6;
	v2 =	vld.idx.msk [tilespmem:v11+s4+$0x0], $0xffff  }
0x15b: {  	[tilespmem:s25+$0xFFFFFFF0] =	vst v7;
	v3 =	vld.idx.msk [tilespmem:v12+s4+$0x0], $0xffff  }
0x15c: {  	[tilespmem:s25+$0xFFFFFF80] =	vst v15;
	v4 =	vld.idx.msk [tilespmem:v13+s4+$0x0], $0xffff  }
0x15d: {  	s31 =	sadd.s32 s19, s10;
	s14 =	simm.s32 $0x4D00;
	s0 =	simm.s32 $0x0;
	[tilespmem:s25+$0x0] =	vst v8;
	v5 =	vld.idx.msk [tilespmem:v14+s4+$0x0], $0xffff  }
.LBB2_9:
0x15e: {  	v6 =	vld [tilespmem:s14+$0x70];
	s0 =	sadd.s32 $0x10, s0;
	[tilespmem:s25+$0x10] =	vst v0  }
0x15f: {  	v0 =	vld [tilespmem:s14+$0xFFFFFF90];
	p1 =	slt.u32 s0, $0x180;
	[tilespmem:s25+$0x20] =	vst v1  }
0x160: {  	v1 =	vld [tilespmem:s14+$0xFFFFFFA0];
	[tilespmem:s25+$0x30] =	vst v2  }
0x161: {  	v2 =	vld [tilespmem:s14+$0xFFFFFFB0];
	[tilespmem:s25+$0x40] =	vst v3  }
0x162: {  	v3 =	vld [tilespmem:s14+$0xFFFFFFC0];
	[tilespmem:s25+$0x50] =	vst v4  }
0x163: {  	v4 =	vld [tilespmem:s14+$0xFFFFFFD0];
	[tilespmem:s25+$0x60] =	vst v5  }
0x164: {  	v5 =	vld [tilespmem:s14+$0xFFFFFFE0]  }
0x165: {  	v7 =	vld [tilespmem:s14+$0xFFFFFFF0]  }
0x166: {  	v6 =	vld.idx.msk [tilespmem:v6+s4+$0x0], $0xffff  }
0x167: {  	v8 =	vld [tilespmem:s14+$0x0]  }
0x168: {  	v9 =	vld [tilespmem:s14+$0x10]  }
0x169: {  	v10 =	vld [tilespmem:s14+$0x20]  }
0x16a: {  	v11 =	vld [tilespmem:s14+$0x30]  }
0x16b: {  	s25 =	sadd.s32 $0x100, s25;
	v12 =	vld [tilespmem:s14+$0x40]  }
0x16c: {  	v13 =	vld [tilespmem:s14+$0x50];
	[tilespmem:s25+$0x70] =	vst v6  }
0x16d: {  	v6 =	vld [tilespmem:s14+$0x60]  }
0x16e: {  	v14 =	vld [tilespmem:s14+$0xFFFFFF80]  }
0x16f: {  	v0 =	vld.idx.msk [tilespmem:v0+s4+$0x0], $0xffff  }
0x170: {  	v1 =	vld.idx.msk [tilespmem:v1+s4+$0x0], $0xffff  }
0x171: {  	v2 =	vld.idx.msk [tilespmem:v2+s4+$0x0], $0xffff  }
0x172: {  	v3 =	vld.idx.msk [tilespmem:v3+s4+$0x0], $0xffff  }
0x173: {  	v4 =	vld.idx.msk [tilespmem:v4+s4+$0x0], $0xffff  }
0x174: {  	v5 =	vld.idx.msk [tilespmem:v5+s4+$0x0], $0xffff  }
0x175: {  	[tilespmem:s25+$0xFFFFFF90] =	vst v0;
	v7 =	vld.idx.msk [tilespmem:v7+s4+$0x0], $0xffff  }
0x176: {  	v14 =	vld.idx.msk [tilespmem:v14+s4+$0x0], $0xffff;
	[tilespmem:s25+$0xFFFFFFA0] =	vst v1  }
0x177: {  	[tilespmem:s25+$0xFFFFFFB0] =	vst v2;
	v8 =	vld.idx.msk [tilespmem:v8+s4+$0x0], $0xffff  }
0x178: {  	[tilespmem:s25+$0xFFFFFFC0] =	vst v3;
	v0 =	vld.idx.msk [tilespmem:v9+s4+$0x0], $0xffff  }
.Ltmp5:
0x179: {  	[tilespmem:s25+$0xFFFFFFD0] =	vst v4;
	v1 =	vld.idx.msk [tilespmem:v10+s4+$0x0], $0xffff;
	(pc) =	sbr.rel @p1 .LBB2_9-.Ltmp5, $4  }
0x17a: {  	[tilespmem:s25+$0xFFFFFFE0] =	vst v5;
	v2 =	vld.idx.msk [tilespmem:v11+s4+$0x0], $0xffff  }
0x17b: {  	[tilespmem:s25+$0xFFFFFFF0] =	vst v7;
	v3 =	vld.idx.msk [tilespmem:v12+s4+$0x0], $0xffff  }
0x17c: {  	[tilespmem:s25+$0xFFFFFF80] =	vst v14;
	v4 =	vld.idx.msk [tilespmem:v13+s4+$0x0], $0xffff  }
0x17d: {  	s14 =	sadd.s32 $0x100, s14;
	[tilespmem:s25+$0x0] =	vst v8;
	v5 =	vld.idx.msk [tilespmem:v6+s4+$0x0], $0xffff  }
0x17e: {  	[tilespmem:s25+$0x10] =	vst v0  }
0x17f: {  	[tilespmem:s25+$0x20] =	vst v1  }
0x180: {  	[tilespmem:s25+$0x30] =	vst v2  }
0x181: {  	[tilespmem:s25+$0x40] =	vst v3  }
0x182: {  	s0 =	sshrl.u32 s31, $0x3;
	[tilespmem:s25+$0x50] =	vst v4  }
0x183: {  	s14 =	simm.s32 $0x11380;
	s0 =	sadd.s32 s3, s0;
	[tilespmem:s25+$0x60] =	vst v5  }
0x184: {  	[hbm4b:s0+s4] =	stream.linear.scatter [tilespmem:s14], [sflag:$0xC], $0x1900, $0x38;
	[tilespmem:$0x19080] =	vst v63  }
0x185: {  	s0 =	simm.s32 @!p0 $0x0;
	s14 =	simm.s32 @!p0 $0x4B80  }
0x186: {  	[tilespmem:s14], [sflag:$0x4] =	stream.linear.gather @!p0 [hbm4b:s24+s0], $0x1900, $0x38;
	[tilespmem:$0x19080] =	vst v63  }
0x187: {  	_ =	swait.ge [sflag:s20], $0x1900  }
0x188: {  	[sflag:s20] =	ssyncset.done $0x0  }
0x189: {  	s0 =	simm.s32 @p0 $0xD;
	[sflag:s20] =	ssyncadd.s32 $0xFFFFE700  }
0x18a: {  	_ =	swait.ge @p0 [sflag:s0], $0x1900  }
0x18b: {  	[sflag:s0] =	ssyncset.done @p0 $0x0  }
0x18c: {  	s25 =	simm.s32 $0x6500;
	[sflag:s0] =	ssyncadd.s32 @p0 $0xFFFFE700  }
0x18d: {  	v0 =	vld [tilespmem:s25+$0x70]  }
0x18e: {  	v1 =	vld [tilespmem:s25+$0xFFFFFF90]  }
0x18f: {  	v2 =	vld [tilespmem:s25+$0xFFFFFFA0]  }
0x190: {  	v3 =	vld [tilespmem:s25+$0xFFFFFFB0]  }
0x191: {  	v4 =	vld [tilespmem:s25+$0xFFFFFFC0]  }
0x192: {  	v5 =	vld [tilespmem:s25+$0xFFFFFFD0]  }
0x193: {  	v6 =	vld [tilespmem:s25+$0xFFFFFFE0]  }
0x194: {  	v7 =	vld [tilespmem:s25+$0xFFFFFFF0]  }
0x195: {  	v8 =	vld [tilespmem:s25+$0x0]  }
0x196: {  	v9 =	vld [tilespmem:s25+$0x10]  }
0x197: {  	v10 =	vld [tilespmem:s25+$0x20]  }
0x198: {  	v11 =	vld [tilespmem:s25+$0x30]  }
0x199: {  	v12 =	vld [tilespmem:s25+$0x40]  }
0x19a: {  	v13 =	vld [tilespmem:s25+$0x50]  }
0x19b: {  	v14 =	vld [tilespmem:s25+$0x60]  }
0x19c: {  	v15 =	vld [tilespmem:s25+$0xFFFFFF80]  }
0x19d: {  	v0 =	vld.idx.msk [tilespmem:v0+s4+$0x0], $0xffff  }
0x19e: {  	v1 =	vld.idx.msk [tilespmem:v1+s4+$0x0], $0xffff  }
0x19f: {  	v2 =	vld.idx.msk [tilespmem:v2+s4+$0x0], $0xffff  }
0x1a0: {  	v3 =	vld.idx.msk [tilespmem:v3+s4+$0x0], $0xffff  }
0x1a1: {  	v4 =	vld.idx.msk [tilespmem:v4+s4+$0x0], $0xffff  }
0x1a2: {  	s25 =	simm.s32 $0x12D00;
	v5 =	vld.idx.msk [tilespmem:v5+s4+$0x0], $0xffff  }
0x1a3: {  	v6 =	vld.idx.msk [tilespmem:v6+s4+$0x0], $0xffff;
	[tilespmem:s25+$0x70] =	vst v0  }
0x1a4: {  	v7 =	vld.idx.msk [tilespmem:v7+s4+$0x0], $0xffff;
	[tilespmem:s25+$0xFFFFFF90] =	vst v1  }
0x1a5: {  	v15 =	vld.idx.msk [tilespmem:v15+s4+$0x0], $0xffff;
	[tilespmem:s25+$0xFFFFFFA0] =	vst v2  }
0x1a6: {  	v8 =	vld.idx.msk [tilespmem:v8+s4+$0x0], $0xffff;
	[tilespmem:s25+$0xFFFFFFB0] =	vst v3  }
0x1a7: {  	[tilespmem:s25+$0xFFFFFFC0] =	vst v4;
	v0 =	vld.idx.msk [tilespmem:v9+s4+$0x0], $0xffff  }
0x1a8: {  	[tilespmem:s25+$0xFFFFFFD0] =	vst v5;
	v1 =	vld.idx.msk [tilespmem:v10+s4+$0x0], $0xffff  }
0x1a9: {  	[tilespmem:s25+$0xFFFFFFE0] =	vst v6;
	v2 =	vld.idx.msk [tilespmem:v11+s4+$0x0], $0xffff  }
0x1aa: {  	[tilespmem:s25+$0xFFFFFFF0] =	vst v7;
	v3 =	vld.idx.msk [tilespmem:v12+s4+$0x0], $0xffff  }
0x1ab: {  	[tilespmem:s25+$0xFFFFFF80] =	vst v15;
	v4 =	vld.idx.msk [tilespmem:v13+s4+$0x0], $0xffff  }
0x1ac: {  	s31 =	sadd.s32 s19, s11;
	s14 =	simm.s32 $0x6600;
	s0 =	simm.s32 $0x0;
	[tilespmem:s25+$0x0] =	vst v8;
	v5 =	vld.idx.msk [tilespmem:v14+s4+$0x0], $0xffff  }
.LBB2_11:
0x1ad: {  	v6 =	vld [tilespmem:s14+$0x70];
	s0 =	sadd.s32 $0x10, s0;
	[tilespmem:s25+$0x10] =	vst v0  }
0x1ae: {  	v0 =	vld [tilespmem:s14+$0xFFFFFF90];
	p1 =	slt.u32 s0, $0x180;
	[tilespmem:s25+$0x20] =	vst v1  }
0x1af: {  	v1 =	vld [tilespmem:s14+$0xFFFFFFA0];
	[tilespmem:s25+$0x30] =	vst v2  }
0x1b0: {  	v2 =	vld [tilespmem:s14+$0xFFFFFFB0];
	[tilespmem:s25+$0x40] =	vst v3  }
0x1b1: {  	v3 =	vld [tilespmem:s14+$0xFFFFFFC0];
	[tilespmem:s25+$0x50] =	vst v4  }
0x1b2: {  	v4 =	vld [tilespmem:s14+$0xFFFFFFD0];
	[tilespmem:s25+$0x60] =	vst v5  }
0x1b3: {  	v5 =	vld [tilespmem:s14+$0xFFFFFFE0]  }
0x1b4: {  	v7 =	vld [tilespmem:s14+$0xFFFFFFF0]  }
0x1b5: {  	v6 =	vld.idx.msk [tilespmem:v6+s4+$0x0], $0xffff  }
0x1b6: {  	v8 =	vld [tilespmem:s14+$0x0]  }
0x1b7: {  	v9 =	vld [tilespmem:s14+$0x10]  }
0x1b8: {  	v10 =	vld [tilespmem:s14+$0x20]  }
0x1b9: {  	v11 =	vld [tilespmem:s14+$0x30]  }
0x1ba: {  	s25 =	sadd.s32 $0x100, s25;
	v12 =	vld [tilespmem:s14+$0x40]  }
0x1bb: {  	v13 =	vld [tilespmem:s14+$0x50];
	[tilespmem:s25+$0x70] =	vst v6  }
0x1bc: {  	v6 =	vld [tilespmem:s14+$0x60]  }
0x1bd: {  	v14 =	vld [tilespmem:s14+$0xFFFFFF80]  }
0x1be: {  	v0 =	vld.idx.msk [tilespmem:v0+s4+$0x0], $0xffff  }
0x1bf: {  	v1 =	vld.idx.msk [tilespmem:v1+s4+$0x0], $0xffff  }
0x1c0: {  	v2 =	vld.idx.msk [tilespmem:v2+s4+$0x0], $0xffff  }
0x1c1: {  	v3 =	vld.idx.msk [tilespmem:v3+s4+$0x0], $0xffff  }
0x1c2: {  	v4 =	vld.idx.msk [tilespmem:v4+s4+$0x0], $0xffff  }
0x1c3: {  	v5 =	vld.idx.msk [tilespmem:v5+s4+$0x0], $0xffff  }
0x1c4: {  	[tilespmem:s25+$0xFFFFFF90] =	vst v0;
	v7 =	vld.idx.msk [tilespmem:v7+s4+$0x0], $0xffff  }
0x1c5: {  	v14 =	vld.idx.msk [tilespmem:v14+s4+$0x0], $0xffff;
	[tilespmem:s25+$0xFFFFFFA0] =	vst v1  }
0x1c6: {  	[tilespmem:s25+$0xFFFFFFB0] =	vst v2;
	v8 =	vld.idx.msk [tilespmem:v8+s4+$0x0], $0xffff  }
0x1c7: {  	[tilespmem:s25+$0xFFFFFFC0] =	vst v3;
	v0 =	vld.idx.msk [tilespmem:v9+s4+$0x0], $0xffff  }
.Ltmp6:
0x1c8: {  	[tilespmem:s25+$0xFFFFFFD0] =	vst v4;
	v1 =	vld.idx.msk [tilespmem:v10+s4+$0x0], $0xffff;
	(pc) =	sbr.rel @p1 .LBB2_11-.Ltmp6, $4  }
0x1c9: {  	[tilespmem:s25+$0xFFFFFFE0] =	vst v5;
	v2 =	vld.idx.msk [tilespmem:v11+s4+$0x0], $0xffff  }
0x1ca: {  	[tilespmem:s25+$0xFFFFFFF0] =	vst v7;
	v3 =	vld.idx.msk [tilespmem:v12+s4+$0x0], $0xffff  }
0x1cb: {  	[tilespmem:s25+$0xFFFFFF80] =	vst v14;
	v4 =	vld.idx.msk [tilespmem:v13+s4+$0x0], $0xffff  }
0x1cc: {  	s14 =	sadd.s32 $0x100, s14;
	[tilespmem:s25+$0x0] =	vst v8;
	v5 =	vld.idx.msk [tilespmem:v6+s4+$0x0], $0xffff  }
0x1cd: {  	[tilespmem:s25+$0x10] =	vst v0  }
0x1ce: {  	[tilespmem:s25+$0x20] =	vst v1  }
0x1cf: {  	[tilespmem:s25+$0x30] =	vst v2  }
0x1d0: {  	[tilespmem:s25+$0x40] =	vst v3  }
0x1d1: {  	s0 =	sshrl.u32 s31, $0x3;
	[tilespmem:s25+$0x50] =	vst v4  }
0x1d2: {  	s14 =	simm.s32 $0x12C80;
	s0 =	sadd.s32 s3, s0;
	[tilespmem:s25+$0x60] =	vst v5  }
0x1d3: {  	[hbm4b:s0+s4] =	stream.linear.scatter [tilespmem:s14], [sflag:$0xD], $0x1900, $0x38;
	[tilespmem:$0x19080] =	vst v63  }
0x1d4: {  	s0 =	simm.s32 @!p0 $0x0;
	s14 =	simm.s32 @!p0 $0x6480  }
0x1d5: {  	[tilespmem:s14], [sflag:$0x5] =	stream.linear.gather @!p0 [hbm4b:s26+s0], $0x1900, $0x38;
	[tilespmem:$0x19080] =	vst v63  }
0x1d6: {  	_ =	swait.ge [sflag:s7], $0x1900  }
0x1d7: {  	[sflag:s7] =	ssyncset.done $0x0  }
0x1d8: {  	s0 =	simm.s32 @p0 $0xE;
	[sflag:s7] =	ssyncadd.s32 $0xFFFFE700  }
0x1d9: {  	_ =	swait.ge @p0 [sflag:s0], $0x1900  }
0x1da: {  	[sflag:s0] =	ssyncset.done @p0 $0x0  }
0x1db: {  	s25 =	simm.s32 $0x7E00;
	[sflag:s0] =	ssyncadd.s32 @p0 $0xFFFFE700  }
0x1dc: {  	v0 =	vld [tilespmem:s25+$0x70]  }
0x1dd: {  	v1 =	vld [tilespmem:s25+$0xFFFFFF90]  }
0x1de: {  	v2 =	vld [tilespmem:s25+$0xFFFFFFA0]  }
0x1df: {  	v3 =	vld [tilespmem:s25+$0xFFFFFFB0]  }
0x1e0: {  	v4 =	vld [tilespmem:s25+$0xFFFFFFC0]  }
0x1e1: {  	v5 =	vld [tilespmem:s25+$0xFFFFFFD0]  }
0x1e2: {  	v6 =	vld [tilespmem:s25+$0xFFFFFFE0]  }
0x1e3: {  	v7 =	vld [tilespmem:s25+$0xFFFFFFF0]  }
0x1e4: {  	v8 =	vld [tilespmem:s25+$0x0]  }
0x1e5: {  	v9 =	vld [tilespmem:s25+$0x10]  }
0x1e6: {  	v10 =	vld [tilespmem:s25+$0x20]  }
0x1e7: {  	v11 =	vld [tilespmem:s25+$0x30]  }
0x1e8: {  	v12 =	vld [tilespmem:s25+$0x40]  }
0x1e9: {  	v13 =	vld [tilespmem:s25+$0x50]  }
0x1ea: {  	v14 =	vld [tilespmem:s25+$0x60]  }
0x1eb: {  	v15 =	vld [tilespmem:s25+$0xFFFFFF80]  }
0x1ec: {  	v0 =	vld.idx.msk [tilespmem:v0+s4+$0x0], $0xffff  }
0x1ed: {  	v1 =	vld.idx.msk [tilespmem:v1+s4+$0x0], $0xffff  }
0x1ee: {  	v2 =	vld.idx.msk [tilespmem:v2+s4+$0x0], $0xffff  }
0x1ef: {  	v3 =	vld.idx.msk [tilespmem:v3+s4+$0x0], $0xffff  }
0x1f0: {  	v4 =	vld.idx.msk [tilespmem:v4+s4+$0x0], $0xffff  }
0x1f1: {  	s25 =	simm.s32 $0x14600;
	v5 =	vld.idx.msk [tilespmem:v5+s4+$0x0], $0xffff  }
0x1f2: {  	v6 =	vld.idx.msk [tilespmem:v6+s4+$0x0], $0xffff;
	[tilespmem:s25+$0x70] =	vst v0  }
0x1f3: {  	v7 =	vld.idx.msk [tilespmem:v7+s4+$0x0], $0xffff;
	[tilespmem:s25+$0xFFFFFF90] =	vst v1  }
0x1f4: {  	v15 =	vld.idx.msk [tilespmem:v15+s4+$0x0], $0xffff;
	[tilespmem:s25+$0xFFFFFFA0] =	vst v2  }
0x1f5: {  	v8 =	vld.idx.msk [tilespmem:v8+s4+$0x0], $0xffff;
	[tilespmem:s25+$0xFFFFFFB0] =	vst v3  }
0x1f6: {  	[tilespmem:s25+$0xFFFFFFC0] =	vst v4;
	v0 =	vld.idx.msk [tilespmem:v9+s4+$0x0], $0xffff  }
0x1f7: {  	[tilespmem:s25+$0xFFFFFFD0] =	vst v5;
	v1 =	vld.idx.msk [tilespmem:v10+s4+$0x0], $0xffff  }
0x1f8: {  	[tilespmem:s25+$0xFFFFFFE0] =	vst v6;
	v2 =	vld.idx.msk [tilespmem:v11+s4+$0x0], $0xffff  }
0x1f9: {  	[tilespmem:s25+$0xFFFFFFF0] =	vst v7;
	v3 =	vld.idx.msk [tilespmem:v12+s4+$0x0], $0xffff  }
0x1fa: {  	[tilespmem:s25+$0xFFFFFF80] =	vst v15;
	v4 =	vld.idx.msk [tilespmem:v13+s4+$0x0], $0xffff  }
0x1fb: {  	s31 =	sadd.s32 s19, s15;
	s14 =	simm.s32 $0x7F00;
	s0 =	simm.s32 $0x0;
	[tilespmem:s25+$0x0] =	vst v8;
	v5 =	vld.idx.msk [tilespmem:v14+s4+$0x0], $0xffff  }
.LBB2_13:
0x1fc: {  	v6 =	vld [tilespmem:s14+$0x70];
	s0 =	sadd.s32 $0x10, s0;
	[tilespmem:s25+$0x10] =	vst v0  }
0x1fd: {  	v0 =	vld [tilespmem:s14+$0xFFFFFF90];
	p1 =	slt.u32 s0, $0x180;
	[tilespmem:s25+$0x20] =	vst v1  }
0x1fe: {  	v1 =	vld [tilespmem:s14+$0xFFFFFFA0];
	[tilespmem:s25+$0x30] =	vst v2  }
0x1ff: {  	v2 =	vld [tilespmem:s14+$0xFFFFFFB0];
	[tilespmem:s25+$0x40] =	vst v3  }
0x200: {  	v3 =	vld [tilespmem:s14+$0xFFFFFFC0];
	[tilespmem:s25+$0x50] =	vst v4  }
0x201: {  	v4 =	vld [tilespmem:s14+$0xFFFFFFD0];
	[tilespmem:s25+$0x60] =	vst v5  }
0x202: {  	v5 =	vld [tilespmem:s14+$0xFFFFFFE0]  }
0x203: {  	v7 =	vld [tilespmem:s14+$0xFFFFFFF0]  }
0x204: {  	v6 =	vld.idx.msk [tilespmem:v6+s4+$0x0], $0xffff  }
0x205: {  	v8 =	vld [tilespmem:s14+$0x0]  }
0x206: {  	v9 =	vld [tilespmem:s14+$0x10]  }
0x207: {  	v10 =	vld [tilespmem:s14+$0x20]  }
0x208: {  	v11 =	vld [tilespmem:s14+$0x30]  }
0x209: {  	s25 =	sadd.s32 $0x100, s25;
	v12 =	vld [tilespmem:s14+$0x40]  }
0x20a: {  	v13 =	vld [tilespmem:s14+$0x50];
	[tilespmem:s25+$0x70] =	vst v6  }
0x20b: {  	v6 =	vld [tilespmem:s14+$0x60]  }
0x20c: {  	v14 =	vld [tilespmem:s14+$0xFFFFFF80]  }
0x20d: {  	v0 =	vld.idx.msk [tilespmem:v0+s4+$0x0], $0xffff  }
0x20e: {  	v1 =	vld.idx.msk [tilespmem:v1+s4+$0x0], $0xffff  }
0x20f: {  	v2 =	vld.idx.msk [tilespmem:v2+s4+$0x0], $0xffff  }
0x210: {  	v3 =	vld.idx.msk [tilespmem:v3+s4+$0x0], $0xffff  }
0x211: {  	v4 =	vld.idx.msk [tilespmem:v4+s4+$0x0], $0xffff  }
0x212: {  	v5 =	vld.idx.msk [tilespmem:v5+s4+$0x0], $0xffff  }
0x213: {  	[tilespmem:s25+$0xFFFFFF90] =	vst v0;
	v7 =	vld.idx.msk [tilespmem:v7+s4+$0x0], $0xffff  }
0x214: {  	v14 =	vld.idx.msk [tilespmem:v14+s4+$0x0], $0xffff;
	[tilespmem:s25+$0xFFFFFFA0] =	vst v1  }
0x215: {  	[tilespmem:s25+$0xFFFFFFB0] =	vst v2;
	v8 =	vld.idx.msk [tilespmem:v8+s4+$0x0], $0xffff  }
0x216: {  	[tilespmem:s25+$0xFFFFFFC0] =	vst v3;
	v0 =	vld.idx.msk [tilespmem:v9+s4+$0x0], $0xffff  }
.Ltmp7:
0x217: {  	[tilespmem:s25+$0xFFFFFFD0] =	vst v4;
	v1 =	vld.idx.msk [tilespmem:v10+s4+$0x0], $0xffff;
	(pc) =	sbr.rel @p1 .LBB2_13-.Ltmp7, $4  }
0x218: {  	[tilespmem:s25+$0xFFFFFFE0] =	vst v5;
	v2 =	vld.idx.msk [tilespmem:v11+s4+$0x0], $0xffff  }
0x219: {  	[tilespmem:s25+$0xFFFFFFF0] =	vst v7;
	v3 =	vld.idx.msk [tilespmem:v12+s4+$0x0], $0xffff  }
0x21a: {  	[tilespmem:s25+$0xFFFFFF80] =	vst v14;
	v4 =	vld.idx.msk [tilespmem:v13+s4+$0x0], $0xffff  }
0x21b: {  	s14 =	sadd.s32 $0x100, s14;
	[tilespmem:s25+$0x0] =	vst v8;
	v5 =	vld.idx.msk [tilespmem:v6+s4+$0x0], $0xffff  }
0x21c: {  	[tilespmem:s25+$0x10] =	vst v0  }
0x21d: {  	[tilespmem:s25+$0x20] =	vst v1  }
0x21e: {  	[tilespmem:s25+$0x30] =	vst v2  }
0x21f: {  	[tilespmem:s25+$0x40] =	vst v3  }
0x220: {  	s0 =	sshrl.u32 s31, $0x3;
	[tilespmem:s25+$0x50] =	vst v4  }
0x221: {  	s14 =	simm.s32 $0x14580;
	s0 =	sadd.s32 s3, s0;
	[tilespmem:s25+$0x60] =	vst v5  }
0x222: {  	[hbm4b:s0+s4] =	stream.linear.scatter [tilespmem:s14], [sflag:$0xE], $0x1900, $0x38;
	[tilespmem:$0x19080] =	vst v63  }
0x223: {  	s0 =	simm.s32 @!p0 $0x0;
	s14 =	simm.s32 @!p0 $0x7D80  }
0x224: {  	[tilespmem:s14], [sflag:$0x6] =	stream.linear.gather @!p0 [hbm4b:s28+s0], $0x1900, $0x38;
	[tilespmem:$0x19080] =	vst v63  }
0x225: {  	_ =	swait.ge [sflag:s2], $0x1900  }
0x226: {  	[sflag:s2] =	ssyncset.done $0x0  }
0x227: {  	s0 =	simm.s32 @p0 $0xF;
	[sflag:s2] =	ssyncadd.s32 $0xFFFFE700  }
0x228: {  	_ =	swait.ge @p0 [sflag:s0], $0x1900  }
0x229: {  	[sflag:s0] =	ssyncset.done @p0 $0x0  }
0x22a: {  	s25 =	simm.s32 $0x9700;
	[sflag:s0] =	ssyncadd.s32 @p0 $0xFFFFE700  }
0x22b: {  	v0 =	vld [tilespmem:s25+$0x70]  }
0x22c: {  	v1 =	vld [tilespmem:s25+$0xFFFFFF90]  }
0x22d: {  	v2 =	vld [tilespmem:s25+$0xFFFFFFA0]  }
0x22e: {  	v3 =	vld [tilespmem:s25+$0xFFFFFFB0]  }
0x22f: {  	v4 =	vld [tilespmem:s25+$0xFFFFFFC0]  }
0x230: {  	v5 =	vld [tilespmem:s25+$0xFFFFFFD0]  }
0x231: {  	v6 =	vld [tilespmem:s25+$0xFFFFFFE0]  }
0x232: {  	v7 =	vld [tilespmem:s25+$0xFFFFFFF0]  }
0x233: {  	v8 =	vld [tilespmem:s25+$0x0]  }
0x234: {  	v9 =	vld [tilespmem:s25+$0x10]  }
0x235: {  	v10 =	vld [tilespmem:s25+$0x20]  }
0x236: {  	v11 =	vld [tilespmem:s25+$0x30]  }
0x237: {  	v12 =	vld [tilespmem:s25+$0x40]  }
0x238: {  	v13 =	vld [tilespmem:s25+$0x50]  }
0x239: {  	v14 =	vld [tilespmem:s25+$0x60]  }
0x23a: {  	v15 =	vld [tilespmem:s25+$0xFFFFFF80]  }
0x23b: {  	v0 =	vld.idx.msk [tilespmem:v0+s4+$0x0], $0xffff  }
0x23c: {  	v1 =	vld.idx.msk [tilespmem:v1+s4+$0x0], $0xffff  }
0x23d: {  	v2 =	vld.idx.msk [tilespmem:v2+s4+$0x0], $0xffff  }
0x23e: {  	v3 =	vld.idx.msk [tilespmem:v3+s4+$0x0], $0xffff  }
0x23f: {  	v4 =	vld.idx.msk [tilespmem:v4+s4+$0x0], $0xffff  }
0x240: {  	s25 =	simm.s32 $0x15F00;
	v5 =	vld.idx.msk [tilespmem:v5+s4+$0x0], $0xffff  }
0x241: {  	v6 =	vld.idx.msk [tilespmem:v6+s4+$0x0], $0xffff;
	[tilespmem:s25+$0x70] =	vst v0  }
0x242: {  	v7 =	vld.idx.msk [tilespmem:v7+s4+$0x0], $0xffff;
	[tilespmem:s25+$0xFFFFFF90] =	vst v1  }
0x243: {  	v15 =	vld.idx.msk [tilespmem:v15+s4+$0x0], $0xffff;
	[tilespmem:s25+$0xFFFFFFA0] =	vst v2  }
0x244: {  	v8 =	vld.idx.msk [tilespmem:v8+s4+$0x0], $0xffff;
	[tilespmem:s25+$0xFFFFFFB0] =	vst v3  }
0x245: {  	[tilespmem:s25+$0xFFFFFFC0] =	vst v4;
	v0 =	vld.idx.msk [tilespmem:v9+s4+$0x0], $0xffff  }
0x246: {  	[tilespmem:s25+$0xFFFFFFD0] =	vst v5;
	v1 =	vld.idx.msk [tilespmem:v10+s4+$0x0], $0xffff  }
0x247: {  	[tilespmem:s25+$0xFFFFFFE0] =	vst v6;
	v2 =	vld.idx.msk [tilespmem:v11+s4+$0x0], $0xffff  }
0x248: {  	[tilespmem:s25+$0xFFFFFFF0] =	vst v7;
	v3 =	vld.idx.msk [tilespmem:v12+s4+$0x0], $0xffff  }
0x249: {  	[tilespmem:s25+$0xFFFFFF80] =	vst v15;
	v4 =	vld.idx.msk [tilespmem:v13+s4+$0x0], $0xffff  }
0x24a: {  	s31 =	sadd.s32 s19, s16;
	s14 =	simm.s32 $0x9800;
	s0 =	simm.s32 $0x0;
	[tilespmem:s25+$0x0] =	vst v8;
	v5 =	vld.idx.msk [tilespmem:v14+s4+$0x0], $0xffff  }
.LBB2_15:
0x24b: {  	v6 =	vld [tilespmem:s14+$0x70];
	s0 =	sadd.s32 $0x10, s0;
	[tilespmem:s25+$0x10] =	vst v0  }
0x24c: {  	v0 =	vld [tilespmem:s14+$0xFFFFFF90];
	p1 =	slt.u32 s0, $0x180;
	[tilespmem:s25+$0x20] =	vst v1  }
0x24d: {  	v1 =	vld [tilespmem:s14+$0xFFFFFFA0];
	[tilespmem:s25+$0x30] =	vst v2  }
0x24e: {  	v2 =	vld [tilespmem:s14+$0xFFFFFFB0];
	[tilespmem:s25+$0x40] =	vst v3  }
0x24f: {  	v3 =	vld [tilespmem:s14+$0xFFFFFFC0];
	[tilespmem:s25+$0x50] =	vst v4  }
0x250: {  	v4 =	vld [tilespmem:s14+$0xFFFFFFD0];
	[tilespmem:s25+$0x60] =	vst v5  }
0x251: {  	v5 =	vld [tilespmem:s14+$0xFFFFFFE0]  }
0x252: {  	v7 =	vld [tilespmem:s14+$0xFFFFFFF0]  }
0x253: {  	v6 =	vld.idx.msk [tilespmem:v6+s4+$0x0], $0xffff  }
0x254: {  	v8 =	vld [tilespmem:s14+$0x0]  }
0x255: {  	v9 =	vld [tilespmem:s14+$0x10]  }
0x256: {  	v10 =	vld [tilespmem:s14+$0x20]  }
0x257: {  	v11 =	vld [tilespmem:s14+$0x30]  }
0x258: {  	s25 =	sadd.s32 $0x100, s25;
	v12 =	vld [tilespmem:s14+$0x40]  }
0x259: {  	v13 =	vld [tilespmem:s14+$0x50];
	[tilespmem:s25+$0x70] =	vst v6  }
0x25a: {  	v6 =	vld [tilespmem:s14+$0x60]  }
0x25b: {  	v14 =	vld [tilespmem:s14+$0xFFFFFF80]  }
0x25c: {  	v0 =	vld.idx.msk [tilespmem:v0+s4+$0x0], $0xffff  }
0x25d: {  	v1 =	vld.idx.msk [tilespmem:v1+s4+$0x0], $0xffff  }
0x25e: {  	v2 =	vld.idx.msk [tilespmem:v2+s4+$0x0], $0xffff  }
0x25f: {  	v3 =	vld.idx.msk [tilespmem:v3+s4+$0x0], $0xffff  }
0x260: {  	v4 =	vld.idx.msk [tilespmem:v4+s4+$0x0], $0xffff  }
0x261: {  	v5 =	vld.idx.msk [tilespmem:v5+s4+$0x0], $0xffff  }
0x262: {  	[tilespmem:s25+$0xFFFFFF90] =	vst v0;
	v7 =	vld.idx.msk [tilespmem:v7+s4+$0x0], $0xffff  }
0x263: {  	v14 =	vld.idx.msk [tilespmem:v14+s4+$0x0], $0xffff;
	[tilespmem:s25+$0xFFFFFFA0] =	vst v1  }
0x264: {  	[tilespmem:s25+$0xFFFFFFB0] =	vst v2;
	v8 =	vld.idx.msk [tilespmem:v8+s4+$0x0], $0xffff  }
0x265: {  	[tilespmem:s25+$0xFFFFFFC0] =	vst v3;
	v0 =	vld.idx.msk [tilespmem:v9+s4+$0x0], $0xffff  }
.Ltmp8:
0x266: {  	[tilespmem:s25+$0xFFFFFFD0] =	vst v4;
	v1 =	vld.idx.msk [tilespmem:v10+s4+$0x0], $0xffff;
	(pc) =	sbr.rel @p1 .LBB2_15-.Ltmp8, $4  }
0x267: {  	[tilespmem:s25+$0xFFFFFFE0] =	vst v5;
	v2 =	vld.idx.msk [tilespmem:v11+s4+$0x0], $0xffff  }
0x268: {  	[tilespmem:s25+$0xFFFFFFF0] =	vst v7;
	v3 =	vld.idx.msk [tilespmem:v12+s4+$0x0], $0xffff  }
0x269: {  	[tilespmem:s25+$0xFFFFFF80] =	vst v14;
	v4 =	vld.idx.msk [tilespmem:v13+s4+$0x0], $0xffff  }
0x26a: {  	s14 =	sadd.s32 $0x100, s14;
	[tilespmem:s25+$0x0] =	vst v8;
	v5 =	vld.idx.msk [tilespmem:v6+s4+$0x0], $0xffff  }
0x26b: {  	[tilespmem:s25+$0x10] =	vst v0  }
0x26c: {  	[tilespmem:s25+$0x20] =	vst v1  }
0x26d: {  	[tilespmem:s25+$0x30] =	vst v2  }
0x26e: {  	[tilespmem:s25+$0x40] =	vst v3  }
0x26f: {  	s0 =	sshrl.u32 s31, $0x3;
	[tilespmem:s25+$0x50] =	vst v4  }
0x270: {  	s14 =	simm.s32 $0x15E80;
	s0 =	sadd.s32 s3, s0;
	[tilespmem:s25+$0x60] =	vst v5  }
0x271: {  	[hbm4b:s0+s4] =	stream.linear.scatter [tilespmem:s14], [sflag:$0xF], $0x1900, $0x38;
	[tilespmem:$0x19080] =	vst v63  }
0x272: {  	s0 =	simm.s32 @!p0 $0x0;
	s14 =	simm.s32 @!p0 $0x9680  }
0x273: {  	[tilespmem:s14], [sflag:$0x7] =	stream.linear.gather @!p0 [hbm4b:s29+s0], $0x1900, $0x38;
	[tilespmem:$0x19080] =	vst v63  }
0x274: {  	_ =	swait.ge [sflag:s12], $0x1900  }
0x275: {  	[sflag:s12] =	ssyncset.done $0x0  }
0x276: {  	s0 =	simm.s32 @p0 $0x10;
	[sflag:s12] =	ssyncadd.s32 $0xFFFFE700  }
0x277: {  	_ =	swait.ge @p0 [sflag:s0], $0x1900  }
0x278: {  	[sflag:s0] =	ssyncset.done @p0 $0x0  }
0x279: {  	s31 =	simm.s32 $0xB000;
	[sflag:s0] =	ssyncadd.s32 @p0 $0xFFFFE700  }
0x27a: {  	v0 =	vld [tilespmem:s31+$0x70]  }
0x27b: {  	v1 =	vld [tilespmem:s31+$0xFFFFFF90]  }
0x27c: {  	v2 =	vld [tilespmem:s31+$0xFFFFFFA0]  }
0x27d: {  	v3 =	vld [tilespmem:s31+$0xFFFFFFB0]  }
0x27e: {  	v4 =	vld [tilespmem:s31+$0xFFFFFFC0]  }
0x27f: {  	v5 =	vld [tilespmem:s31+$0xFFFFFFD0]  }
0x280: {  	v6 =	vld [tilespmem:s31+$0xFFFFFFE0]  }
0x281: {  	v7 =	vld [tilespmem:s31+$0xFFFFFFF0]  }
0x282: {  	v8 =	vld [tilespmem:s31+$0x0]  }
0x283: {  	v9 =	vld [tilespmem:s31+$0x10]  }
0x284: {  	v10 =	vld [tilespmem:s31+$0x20]  }
0x285: {  	v11 =	vld [tilespmem:s31+$0x30]  }
0x286: {  	v12 =	vld [tilespmem:s31+$0x40]  }
0x287: {  	v13 =	vld [tilespmem:s31+$0x50]  }
0x288: {  	v14 =	vld [tilespmem:s31+$0x60]  }
0x289: {  	v15 =	vld [tilespmem:s31+$0xFFFFFF80]  }
0x28a: {  	v0 =	vld.idx.msk [tilespmem:v0+s4+$0x0], $0xffff  }
0x28b: {  	v1 =	vld.idx.msk [tilespmem:v1+s4+$0x0], $0xffff  }
0x28c: {  	v2 =	vld.idx.msk [tilespmem:v2+s4+$0x0], $0xffff  }
0x28d: {  	v3 =	vld.idx.msk [tilespmem:v3+s4+$0x0], $0xffff  }
0x28e: {  	v4 =	vld.idx.msk [tilespmem:v4+s4+$0x0], $0xffff  }
0x28f: {  	s25 =	simm.s32 $0x17800;
	v5 =	vld.idx.msk [tilespmem:v5+s4+$0x0], $0xffff  }
0x290: {  	v6 =	vld.idx.msk [tilespmem:v6+s4+$0x0], $0xffff;
	[tilespmem:s25+$0x70] =	vst v0  }
0x291: {  	v7 =	vld.idx.msk [tilespmem:v7+s4+$0x0], $0xffff;
	[tilespmem:s25+$0xFFFFFF90] =	vst v1  }
0x292: {  	v15 =	vld.idx.msk [tilespmem:v15+s4+$0x0], $0xffff;
	[tilespmem:s25+$0xFFFFFFA0] =	vst v2  }
0x293: {  	v8 =	vld.idx.msk [tilespmem:v8+s4+$0x0], $0xffff;
	[tilespmem:s25+$0xFFFFFFB0] =	vst v3  }
0x294: {  	[tilespmem:s25+$0xFFFFFFC0] =	vst v4;
	v0 =	vld.idx.msk [tilespmem:v9+s4+$0x0], $0xffff  }
0x295: {  	[tilespmem:s25+$0xFFFFFFD0] =	vst v5;
	v1 =	vld.idx.msk [tilespmem:v10+s4+$0x0], $0xffff  }
0x296: {  	[tilespmem:s25+$0xFFFFFFE0] =	vst v6;
	v2 =	vld.idx.msk [tilespmem:v11+s4+$0x0], $0xffff  }
0x297: {  	[tilespmem:s25+$0xFFFFFFF0] =	vst v7;
	v3 =	vld.idx.msk [tilespmem:v12+s4+$0x0], $0xffff  }
0x298: {  	[tilespmem:s25+$0xFFFFFF80] =	vst v15;
	v4 =	vld.idx.msk [tilespmem:v13+s4+$0x0], $0xffff  }
0x299: {  	s19 =	sadd.s32 s19, s17;
	s14 =	simm.s32 $0xB100;
	s0 =	simm.s32 $0x0;
	[tilespmem:s25+$0x0] =	vst v8;
	v5 =	vld.idx.msk [tilespmem:v14+s4+$0x0], $0xffff  }
.LBB2_17:
0x29a: {  	v6 =	vld [tilespmem:s14+$0x70];
	s0 =	sadd.s32 $0x10, s0;
	[tilespmem:s25+$0x10] =	vst v0  }
0x29b: {  	v0 =	vld [tilespmem:s14+$0xFFFFFF90];
	p1 =	slt.u32 s0, $0x180;
	[tilespmem:s25+$0x20] =	vst v1  }
0x29c: {  	v1 =	vld [tilespmem:s14+$0xFFFFFFA0];
	[tilespmem:s25+$0x30] =	vst v2  }
0x29d: {  	v2 =	vld [tilespmem:s14+$0xFFFFFFB0];
	[tilespmem:s25+$0x40] =	vst v3  }
0x29e: {  	v3 =	vld [tilespmem:s14+$0xFFFFFFC0];
	[tilespmem:s25+$0x50] =	vst v4  }
0x29f: {  	v4 =	vld [tilespmem:s14+$0xFFFFFFD0];
	[tilespmem:s25+$0x60] =	vst v5  }
0x2a0: {  	v5 =	vld [tilespmem:s14+$0xFFFFFFE0]  }
0x2a1: {  	v7 =	vld [tilespmem:s14+$0xFFFFFFF0]  }
0x2a2: {  	v6 =	vld.idx.msk [tilespmem:v6+s4+$0x0], $0xffff  }
0x2a3: {  	v8 =	vld [tilespmem:s14+$0x0]  }
0x2a4: {  	v9 =	vld [tilespmem:s14+$0x10]  }
0x2a5: {  	v10 =	vld [tilespmem:s14+$0x20]  }
0x2a6: {  	v11 =	vld [tilespmem:s14+$0x30]  }
0x2a7: {  	s25 =	sadd.s32 $0x100, s25;
	v12 =	vld [tilespmem:s14+$0x40]  }
0x2a8: {  	v13 =	vld [tilespmem:s14+$0x50];
	[tilespmem:s25+$0x70] =	vst v6  }
0x2a9: {  	v6 =	vld [tilespmem:s14+$0x60]  }
0x2aa: {  	v14 =	vld [tilespmem:s14+$0xFFFFFF80]  }
0x2ab: {  	v0 =	vld.idx.msk [tilespmem:v0+s4+$0x0], $0xffff  }
0x2ac: {  	v1 =	vld.idx.msk [tilespmem:v1+s4+$0x0], $0xffff  }
0x2ad: {  	v2 =	vld.idx.msk [tilespmem:v2+s4+$0x0], $0xffff  }
0x2ae: {  	v3 =	vld.idx.msk [tilespmem:v3+s4+$0x0], $0xffff  }
0x2af: {  	v4 =	vld.idx.msk [tilespmem:v4+s4+$0x0], $0xffff  }
0x2b0: {  	v5 =	vld.idx.msk [tilespmem:v5+s4+$0x0], $0xffff  }
0x2b1: {  	[tilespmem:s25+$0xFFFFFF90] =	vst v0;
	v7 =	vld.idx.msk [tilespmem:v7+s4+$0x0], $0xffff  }
0x2b2: {  	v14 =	vld.idx.msk [tilespmem:v14+s4+$0x0], $0xffff;
	[tilespmem:s25+$0xFFFFFFA0] =	vst v1  }
0x2b3: {  	[tilespmem:s25+$0xFFFFFFB0] =	vst v2;
	v8 =	vld.idx.msk [tilespmem:v8+s4+$0x0], $0xffff  }
0x2b4: {  	[tilespmem:s25+$0xFFFFFFC0] =	vst v3;
	v0 =	vld.idx.msk [tilespmem:v9+s4+$0x0], $0xffff  }
.Ltmp9:
0x2b5: {  	[tilespmem:s25+$0xFFFFFFD0] =	vst v4;
	v1 =	vld.idx.msk [tilespmem:v10+s4+$0x0], $0xffff;
	(pc) =	sbr.rel @p1 .LBB2_17-.Ltmp9, $4  }
0x2b6: {  	[tilespmem:s25+$0xFFFFFFE0] =	vst v5;
	v2 =	vld.idx.msk [tilespmem:v11+s4+$0x0], $0xffff  }
0x2b7: {  	[tilespmem:s25+$0xFFFFFFF0] =	vst v7;
	v3 =	vld.idx.msk [tilespmem:v12+s4+$0x0], $0xffff  }
0x2b8: {  	[tilespmem:s25+$0xFFFFFF80] =	vst v14;
	v4 =	vld.idx.msk [tilespmem:v13+s4+$0x0], $0xffff  }
0x2b9: {  	s14 =	sadd.s32 $0x100, s14;
	[tilespmem:s25+$0x0] =	vst v8;
	v5 =	vld.idx.msk [tilespmem:v6+s4+$0x0], $0xffff  }
0x2ba: {  	[tilespmem:s25+$0x10] =	vst v0  }
0x2bb: {  	[tilespmem:s25+$0x20] =	vst v1  }
.Ltmp10:
0x2bc: {  	[tilespmem:s25+$0x30] =	vst v2;
	(pc) =	sbr.rel @p0 .LBB2_20-.Ltmp10, $4  }
0x2bd: {  	[tilespmem:s25+$0x40] =	vst v3  }
0x2be: {  	s0 =	sshrl.u32 s19, $0x3;
	[tilespmem:s25+$0x50] =	vst v4  }
0x2bf: {  	s14 =	simm.s32 $0x17780;
	s0 =	sadd.s32 s3, s0;
	[tilespmem:s25+$0x60] =	vst v5  }
0x2c0: {  	[hbm4b:s0+s4] =	stream.linear.scatter [tilespmem:s14], [sflag:$0x10], $0x1900, $0x38;
	[tilespmem:$0x19080] =	vst v63  }
.Ltmp11:
0x2c1: {  	(pc) =	sbr.rel .LBB2_2-.Ltmp11, $3  }
0x2c2: {  	_ =	sdelay $0x1  }
0x2c3: {  	s0 =	simm.s32 $0xAF80;
	s19 =	simm.s32 $0xC800;
	p0 =	por $0x1, $0x1  }
0x2c4: {  	[tilespmem:s0], [sflag:$0x8] =	stream.linear.gather [hbm4b:s30+s4], $0x1900, $0x38;
	[tilespmem:$0x19080] =	vst v63  }
.LBB2_21:
0x2c5: {  	_ =	sfence.sel $0x180000  }
0x2c6: {  	[bflag:$0x0] =	sbarrier.arrive $0xFFFF  }
0x2c7: {  	_ =	strace $0x90000047  }
0x2c8: {  	s0 =	stileid.u32;
	[bflag:$0x2] =	sbarrier.arrive $0xFFFF  }
0x2c9: {  	p0 =	sne.s32 s0, $0x0;
	s0 =	rddreg [dreg:$0x3]  }
0x2ca: {  	s0 =	sadd.s32 @!p0 $0x100000, s0  }
0x2cb: {  	[sflag:s0] =	ssyncadd.tile.s32 @!p0 $0x1;
	_ =	shalt  }
.Lfunc_end2:
_tile_overlayer_lowered:
.L_overlay_start_2:
0x2cc: {  	(tag) =	ssettag $0x2  }
0x2cd: {  	s0 =	rddreg [dreg:$0x0];
	s2 =	stileid.u32  }
0x2ce: {  	s1 =	rddreg [dreg:$0x1];
	p0 =	sne.s32 s2, $0x0  }
0x2cf: {  	s3 =	rddreg [dreg:$0x2];
	[bflag:$0x3] =	sbarrier.arrive $0xFFFF;
	s2 =	simm.s32 @!p0 $0x1C11  }
0x2d0: {  	[timem:s3], [sflag:s2] =	dma.local @!p0 [hbm:s0], s1  }
0x2d1: {  	s0 =	simm.s32 @!p0 $0x11  }
0x2d2: {  	_ =	swait.ge @!p0 [sflag:s0], s1  }
0x2d3: {  	s1 =	ssub.s32 @!p0 $0x0, s1;
	[sflag:s0] =	ssyncset.done @!p0 $0x0  }
0x2d4: {  	[sflag:s0] =	ssyncadd.s32 @!p0 s1  }
0x2d5: {  	[bflag:$0x3] =	sbarrier.arrive $0xFFFF  }
0x2d6: {  	_ =	shalt  }

</sc_bundles>
